<compile_context>
chip_gen: v7x
topology: tpu7x:2x2x1
jax: 0.10.2.dev20260603
libtpu: 0.0.44.dev20260713+nightly
codegen_flags: <defaults>
</compile_context>

<pallas_src>
import jax
import jax.numpy as jnp
from jax import lax
from jax.experimental import pallas as pl
from jax.experimental.pallas import tpu as pltpu
from jax.experimental.pallas import tpu_sc as plsc

_B, _L, _D, _V = 4096, 200, 64, 1000000
_NC, _NS = 2, 16
_NW = _NC * _NS
_SPW = _B // _NW
_CHUNK = 104
_NREG = _D // 16


def _sc_bow_body(x_hbm, table_hbm, out_hbm, idx_raw, rows_v, out_buf,
                 sem0, sem1):
    wid = lax.axis_index("s") * _NC + lax.axis_index("c")
    base = wid * _SPW
    pltpu.sync_copy(x_hbm.at[pl.ds(base, _SPW)], idx_raw)

    def descs(s, buf_ref, sem):
        a = pltpu.make_async_copy(
            table_hbm.at[idx_raw.at[s, pl.ds(0, _CHUNK)]],
            buf_ref.at[pl.ds(0, _CHUNK)], sem)
        b = pltpu.make_async_copy(
            table_hbm.at[idx_raw.at[s, pl.ds(_CHUNK, _L - _CHUNK)]],
            buf_ref.at[pl.ds(_CHUNK, _L - _CHUNK)], sem)
        return a, b

    def issue(s, buf_ref, sem):
        a, b = descs(s, buf_ref, sem)
        a.start()
        b.start()

    def drain(s, buf_ref, sem):
        a, b = descs(s, buf_ref, sem)
        a.wait()
        b.wait()

    def accum(s, buf_ref):
        def row_body(j, accs):
            return tuple(accs[d] + buf_ref[j, pl.ds(d * 16, 16)]
                         for d in range(_NREG))
        z = jnp.zeros((16,), jnp.float32)
        accs = lax.fori_loop(0, _L, row_body, (z,) * _NREG, unroll=8)
        for d in range(_NREG):
            out_buf[s, pl.ds(d * 16, 16)] = accs[d]

    buf0, buf1 = rows_v.at[0], rows_v.at[1]
    issue(0, buf0, sem0)

    def pair_body(g, carry):
        s0 = g * 2
        issue(s0 + 1, buf1, sem1)
        drain(s0, buf0, sem0)
        accum(s0, buf0)

        @pl.when(g < _SPW // 2 - 1)
        def _():
            issue(s0 + 2, buf0, sem0)

        drain(s0 + 1, buf1, sem1)
        accum(s0 + 1, buf1)
        return carry

    lax.fori_loop(0, _SPW // 2, pair_body, 0)
    pltpu.sync_copy(out_buf, out_hbm.at[pl.ds(base, _SPW)])


def _sc_bow(x, table):
    mesh = plsc.VectorSubcoreMesh(core_axis_name="c", subcore_axis_name="s")
    return pl.kernel(
        _sc_bow_body,
        mesh=mesh,
        compiler_params=pltpu.CompilerParams(use_tc_tiling_on_sc=False),
        out_type=jax.ShapeDtypeStruct((_B, _D), jnp.float32),
        scratch_types=[
            pltpu.VMEM((_SPW, _L), jnp.int32),
            pltpu.VMEM((2, _L, _D), jnp.float32),
            pltpu.VMEM((_SPW, _D), jnp.float32),
            pltpu.SemaphoreType.DMA,
            pltpu.SemaphoreType.DMA,
        ],
    )(x, table)


def _tc_head_body(bow_ref, t_ref, W_hT_ref, b_h_ref, gamma_ref, beta_ref,
                  W_o_ref, b_o_ref, loss_ref, logits_ref):
    bow = bow_ref[...] * (1.0 / _L)
    h_lin = jnp.dot(bow, W_hT_ref[...],
                    preferred_element_type=jnp.float32) + b_h_ref[...]
    mu = jnp.mean(h_lin, axis=0, keepdims=True)
    xc = h_lin - mu
    var = jnp.mean(xc * xc, axis=0, keepdims=True)
    h = xc * lax.rsqrt(var + 1e-5) * gamma_ref[...] + beta_ref[...]
    h = jnp.maximum(h, 0.0)
    logit = (jnp.sum(h * W_o_ref[...], axis=1, keepdims=True)
             + b_o_ref[...])
    t = t_ref[...]
    per = (jnp.maximum(logit, 0.0) - logit * t
           + jnp.log1p(jnp.exp(-jnp.abs(logit))))
    loss_ref[...] = jnp.mean(per, keepdims=True)
    logits_ref[...] = logit


def _tc_head(bow_sum, t, W_h, b_h, gamma, beta, W_o, b_o):
    return pl.pallas_call(
        _tc_head_body,
        out_shape=(jax.ShapeDtypeStruct((1, 1), jnp.float32),
                   jax.ShapeDtypeStruct((_B, 1), jnp.float32)),
    )(bow_sum, t.reshape(_B, 1), W_h.T, b_h.reshape(1, _D),
      gamma.reshape(1, _D), beta.reshape(1, _D), W_o, b_o.reshape(1, 1))


def kernel(x, t, table, W_h, b_h, gamma, beta, W_o, b_o):
    bow_sum = _sc_bow(x.astype(jnp.int32), table)
    loss2d, logits2d = _tc_head(bow_sum, t, W_h, b_h, gamma, beta, W_o, b_o)
    return loss2d[0, 0], logits2d[:, 0]

# --- scband reference (transcript-rebuilt; emitter-appended) ---
"""Pipeline reference for scband-bow-model-ta-20822001451179 (READ-ONLY COPY).

The authoritative reference and input builder live on the scoring server;
editing this copy changes nothing except your own understanding.
"""

import jax, jax.numpy as jnp
import numpy as np

V, D, B, L = 1000000, 64, 4096, 200

def setup_inputs(seed: int = 0):
    key = jax.random.key(seed)
    ks = jax.random.split(key, 8)
    x = jax.random.randint(ks[0], (B, L), 0, V)
    t = jax.random.uniform(ks[1], (B,), dtype=jnp.float32)
    table = jax.random.normal(ks[2], (V, D), dtype=jnp.float32) * 0.02
    W_h = jax.random.normal(ks[3], (D, D), dtype=jnp.float32) * (1.0 / np.sqrt(D))
    b_h = jnp.zeros((D,), dtype=jnp.float32)
    gamma = jnp.ones((D,), dtype=jnp.float32)
    beta = jnp.zeros((D,), dtype=jnp.float32)
    W_o = jax.random.normal(ks[4], (1, D), dtype=jnp.float32) * (1.0 / np.sqrt(D))
    b_o = jnp.zeros((1,), dtype=jnp.float32)
    return {"x": x, "t": t, "table": table, "W_h": W_h, "b_h": b_h,
            "gamma": gamma, "beta": beta, "W_o": W_o, "b_o": b_o}

def reference(x, t, table, W_h, b_h, gamma, beta, W_o, b_o):
    # Bag-of-words: embedding lookup then mean over sequence length per example
    embed = jnp.take(table, x, axis=0)           # [B, L, D]
    bow = embed.mean(axis=1)                      # [B, D]
    # fc_hidden
    h_lin = bow @ W_h.T + b_h                     # [B, D]
    # BatchNorm1d (batch statistics, eps=1e-5)
    mean = h_lin.mean(axis=0)
    var = h_lin.var(axis=0)
    h_bn = (h_lin - mean) / jnp.sqrt(var + 1e-5) * gamma + beta
    h = jax.nn.relu(h_bn)
    # dropout is identity in deterministic/eval reference
    out = h @ W_o.T + b_o                         # [B, 1]
    logits = out[:, 0]
    # BCEWithLogitsLoss (mean reduction), numerically stable form
    loss = jnp.mean(jnp.maximum(logits, 0.0) - logits * t + jnp.log1p(jnp.exp(-jnp.abs(logits))))
    return (loss, logits)

if __name__ == "__main__":
    import jax
    _d = setup_inputs()
    print(jax.jit(kernel)(*tuple(_d.values())))

</pallas_src>

<mosaic_0001>
#map = affine_map<(d0, d1) -> (0, 0)>
module attributes {stable_mosaic.version = 14 : i64} {
  func.func @_sc_bow_body(%arg0: i32, %arg1: i32, %arg2: memref<4096x200xi32, #tpu.memory_space<hbm>>, %arg3: memref<1000000x64xf32, #tpu.memory_space<hbm>>, %arg4: memref<4096x64xf32, #tpu.memory_space<hbm>>, %arg5: memref<128x200xi32, #tpu.memory_space<vmem>>, %arg6: memref<2x200x64xf32, #tpu.memory_space<vmem>>, %arg7: memref<128x64xf32, #tpu.memory_space<vmem>>, %arg8: memref<!tpu.dma_semaphore, #tpu.memory_space<semaphore_mem>>, %arg9: memref<!tpu.dma_semaphore, #tpu.memory_space<semaphore_mem>>) attributes {dimension_semantics = [#tpu.dimension_semantics<core_parallel>, #tpu.dimension_semantics<subcore_parallel>], iteration_bounds = array<i64: 2, 16>, scalar_prefetch = 0 : i64, scratch_operands = 5 : i64, tpu.core_type = #tpu.core_type<sc_vector_subcore>, window_params = [{transform_indices = #map}, {transform_indices = #map}, {transform_indices = #map}]} {
    %mul3A = arith.constant 2 : i32
    %mul3A_0 = arith.muli %arg1, %mul3A : i32
    %add3A = arith.addi %mul3A_0, %arg0 : i32
    %mul3A_1 = arith.constant 128 : i32
    %mul3A_2 = arith.muli %add3A, %mul3A_1 : i32
    "tpu.region"() ({
      %run_scoped3A = tpu.sem_alloc : memref<!tpu.dma_semaphore, #tpu.memory_space<semaphore_mem>>
      %dma_start3A_39 = arith.constant 0 : i32
      %dma_start3A_40 = tpu.memref_slice %arg2[%mul3A_2, %dma_start3A_39] : memref<4096x200xi32, #tpu.memory_space<hbm>> -> memref<128x200xi32, #tpu.memory_space<hbm>>
      %dma_start3A_41 = arith.constant 0 : i32
      %dma_start3A_42 = tpu.memref_slice %arg2[%mul3A_2, %dma_start3A_41] : memref<4096x200xi32, #tpu.memory_space<hbm>> -> memref<128x200xi32, #tpu.memory_space<hbm>>
      tpu.enqueue_dma source(%dma_start3A_42 : memref<128x200xi32, #tpu.memory_space<hbm>>) target(%arg5 : memref<128x200xi32, #tpu.memory_space<vmem>>) target_semaphore(%run_scoped3A : memref<!tpu.dma_semaphore, #tpu.memory_space<semaphore_mem>>)
      %dma_wait3A = arith.constant 0 : i32
      %dma_wait3A_43 = tpu.memref_slice %arg2[%mul3A_2, %dma_wait3A] : memref<4096x200xi32, #tpu.memory_space<hbm>> -> memref<128x200xi32, #tpu.memory_space<hbm>>
      %dma_wait3A_44 = arith.constant 0 : i32
      %dma_wait3A_45 = tpu.memref_slice %arg2[%mul3A_2, %dma_wait3A_44] : memref<4096x200xi32, #tpu.memory_space<hbm>> -> memref<128x200xi32, #tpu.memory_space<hbm>>
      tpu.wait_dma2 semaphore(%run_scoped3A : memref<!tpu.dma_semaphore, #tpu.memory_space<semaphore_mem>>) src(%dma_wait3A_45 : memref<128x200xi32, #tpu.memory_space<hbm>>) dst(%arg5 : memref<128x200xi32, #tpu.memory_space<vmem>>)
      tpu.yield
    }) : () -> ()
    %dma_start3A = arith.constant 0 : i32
    %dma_start3A_3 = arith.constant 0 : i32
    %dma_start3A_4 = arith.constant 0 : i32
    %dma_start3A_5 = arith.constant 0 : i32
    %dma_start3A_6 = tpu.memref_slice %arg6[%dma_start3A_3, %dma_start3A_4, %dma_start3A_5] : memref<2x200x64xf32, #tpu.memory_space<vmem>> -> memref<1x200x64xf32, #tpu.memory_space<vmem>>
    %dma_start3A_7 = tpu.memref_squeeze %dma_start3A_6 : memref<1x200x64xf32, #tpu.memory_space<vmem>> -> memref<200x64xf32, #tpu.memory_space<vmem>>
    %dma_start3A_8 = arith.constant 0 : i32
    %dma_start3A_9 = arith.constant 0 : i32
    %dma_start3A_10 = tpu.memref_slice %dma_start3A_7[%dma_start3A_8, %dma_start3A_9] : memref<200x64xf32, #tpu.memory_space<vmem>> -> memref<104x64xf32, #tpu.memory_space<vmem>>
    %dma_start3A_11 = arith.constant 0 : i32
    %dma_start3A_12 = tpu.memref_slice %arg5[%dma_start3A, %dma_start3A_11] : memref<128x200xi32, #tpu.memory_space<vmem>> -> memref<1x104xi32, #tpu.memory_space<vmem>>
    %dma_start3A_13 = tpu.memref_squeeze %dma_start3A_12 : memref<1x104xi32, #tpu.memory_space<vmem>> -> memref<104xi32, #tpu.memory_space<vmem>>
    %dma_start3A_14 = arith.constant 0 : i32
    %dma_start3A_15 = arith.constant 0 : i32
    %dma_start3A_16 = tpu.memref_slice %arg3[%dma_start3A_14, %dma_start3A_15] : memref<1000000x64xf32, #tpu.memory_space<hbm>> -> memref<1000000x64xf32, #tpu.memory_space<hbm>>
    tpu.enqueue_indirect_dma source(%dma_start3A_16 : memref<1000000x64xf32, #tpu.memory_space<hbm>>) target(%dma_start3A_10 : memref<104x64xf32, #tpu.memory_space<vmem>>) offsets(%dma_start3A_13 : memref<104xi32, #tpu.memory_space<vmem>>) semaphore(%arg8 : memref<!tpu.dma_semaphore, #tpu.memory_space<semaphore_mem>>)
    %dma_start3A_17 = arith.constant 0 : i32
    %dma_start3A_18 = arith.constant 0 : i32
    %dma_start3A_19 = arith.constant 0 : i32
    %dma_start3A_20 = arith.constant 0 : i32
    %dma_start3A_21 = tpu.memref_slice %arg6[%dma_start3A_18, %dma_start3A_19, %dma_start3A_20] : memref<2x200x64xf32, #tpu.memory_space<vmem>> -> memref<1x200x64xf32, #tpu.memory_space<vmem>>
    %dma_start3A_22 = tpu.memref_squeeze %dma_start3A_21 : memref<1x200x64xf32, #tpu.memory_space<vmem>> -> memref<200x64xf32, #tpu.memory_space<vmem>>
    %dma_start3A_23 = arith.constant 104 : i32
    %dma_start3A_24 = arith.constant 0 : i32
    %dma_start3A_25 = tpu.memref_slice %dma_start3A_22[%dma_start3A_23, %dma_start3A_24] : memref<200x64xf32, #tpu.memory_space<vmem>> -> memref<96x64xf32, #tpu.memory_space<vmem>>
    %dma_start3A_26 = arith.constant 104 : i32
    %dma_start3A_27 = tpu.memref_slice %arg5[%dma_start3A_17, %dma_start3A_26] : memref<128x200xi32, #tpu.memory_space<vmem>> -> memref<1x96xi32, #tpu.memory_space<vmem>>
    %dma_start3A_28 = tpu.memref_squeeze %dma_start3A_27 : memref<1x96xi32, #tpu.memory_space<vmem>> -> memref<96xi32, #tpu.memory_space<vmem>>
    %dma_start3A_29 = arith.constant 0 : i32
    %dma_start3A_30 = arith.constant 0 : i32
    %dma_start3A_31 = tpu.memref_slice %arg3[%dma_start3A_29, %dma_start3A_30] : memref<1000000x64xf32, #tpu.memory_space<hbm>> -> memref<1000000x64xf32, #tpu.memory_space<hbm>>
    tpu.enqueue_indirect_dma source(%dma_start3A_31 : memref<1000000x64xf32, #tpu.memory_space<hbm>>) target(%dma_start3A_25 : memref<96x64xf32, #tpu.memory_space<vmem>>) offsets(%dma_start3A_28 : memref<96xi32, #tpu.memory_space<vmem>>) semaphore(%arg8 : memref<!tpu.dma_semaphore, #tpu.memory_space<semaphore_mem>>)
    %scan3A = arith.constant 0 : i32
    %scan3A_32 = arith.constant 1 : i32
    %scan3A_33 = arith.constant 0 : i32
    %scan3A_34 = arith.constant 0 : i32
    %scan3A_35 = arith.constant 64 : i32
    %scan3A_36 = arith.addi %scan3A_34, %scan3A_35 : i32
    %scan3A_37 = arith.constant 1 : i32
    scf.for %scan3A_39 = %scan3A_34 to %scan3A_36 step %scan3A_37  : i32 {
      %mul3A_40 = arith.constant 2 : i32
      %mul3A_41 = arith.muli %scan3A_39, %mul3A_40 : i32
      %add3A_42 = arith.constant 1 : i32
      %add3A_43 = arith.addi %mul3A_41, %add3A_42 : i32
      %dma_start3A_44 = arith.constant 0 : i32
      %dma_start3A_45 = arith.constant 0 : i32
      %dma_start3A_46 = tpu.memref_slice %arg6[%scan3A_32, %dma_start3A_44, %dma_start3A_45] : memref<2x200x64xf32, #tpu.memory_space<vmem>> -> memref<1x200x64xf32, #tpu.memory_space<vmem>>
      %dma_start3A_47 = tpu.memref_squeeze %dma_start3A_46 : memref<1x200x64xf32, #tpu.memory_space<vmem>> -> memref<200x64xf32, #tpu.memory_space<vmem>>
      %dma_start3A_48 = arith.constant 0 : i32
      %dma_start3A_49 = arith.constant 0 : i32
      %dma_start3A_50 = tpu.memref_slice %dma_start3A_47[%dma_start3A_48, %dma_start3A_49] : memref<200x64xf32, #tpu.memory_space<vmem>> -> memref<104x64xf32, #tpu.memory_space<vmem>>
      %dma_start3A_51 = arith.constant 0 : i32
      %dma_start3A_52 = tpu.memref_slice %arg5[%add3A_43, %dma_start3A_51] : memref<128x200xi32, #tpu.memory_space<vmem>> -> memref<1x104xi32, #tpu.memory_space<vmem>>
      %dma_start3A_53 = tpu.memref_squeeze %dma_start3A_52 : memref<1x104xi32, #tpu.memory_space<vmem>> -> memref<104xi32, #tpu.memory_space<vmem>>
      %dma_start3A_54 = arith.constant 0 : i32
      %dma_start3A_55 = arith.constant 0 : i32
      %dma_start3A_56 = tpu.memref_slice %arg3[%dma_start3A_54, %dma_start3A_55] : memref<1000000x64xf32, #tpu.memory_space<hbm>> -> memref<1000000x64xf32, #tpu.memory_space<hbm>>
      tpu.enqueue_indirect_dma source(%dma_start3A_56 : memref<1000000x64xf32, #tpu.memory_space<hbm>>) target(%dma_start3A_50 : memref<104x64xf32, #tpu.memory_space<vmem>>) offsets(%dma_start3A_53 : memref<104xi32, #tpu.memory_space<vmem>>) semaphore(%arg9 : memref<!tpu.dma_semaphore, #tpu.memory_space<semaphore_mem>>)
      %dma_start3A_57 = arith.constant 0 : i32
      %dma_start3A_58 = arith.constant 0 : i32
      %dma_start3A_59 = tpu.memref_slice %arg6[%scan3A_32, %dma_start3A_57, %dma_start3A_58] : memref<2x200x64xf32, #tpu.memory_space<vmem>> -> memref<1x200x64xf32, #tpu.memory_space<vmem>>
      %dma_start3A_60 = tpu.memref_squeeze %dma_start3A_59 : memref<1x200x64xf32, #tpu.memory_space<vmem>> -> memref<200x64xf32, #tpu.memory_space<vmem>>
      %dma_start3A_61 = arith.constant 104 : i32
      %dma_start3A_62 = arith.constant 0 : i32
      %dma_start3A_63 = tpu.memref_slice %dma_start3A_60[%dma_start3A_61, %dma_start3A_62] : memref<200x64xf32, #tpu.memory_space<vmem>> -> memref<96x64xf32, #tpu.memory_space<vmem>>
      %dma_start3A_64 = arith.constant 104 : i32
      %dma_start3A_65 = tpu.memref_slice %arg5[%add3A_43, %dma_start3A_64] : memref<128x200xi32, #tpu.memory_space<vmem>> -> memref<1x96xi32, #tpu.memory_space<vmem>>
      %dma_start3A_66 = tpu.memref_squeeze %dma_start3A_65 : memref<1x96xi32, #tpu.memory_space<vmem>> -> memref<96xi32, #tpu.memory_space<vmem>>
      %dma_start3A_67 = arith.constant 0 : i32
      %dma_start3A_68 = arith.constant 0 : i32
      %dma_start3A_69 = tpu.memref_slice %arg3[%dma_start3A_67, %dma_start3A_68] : memref<1000000x64xf32, #tpu.memory_space<hbm>> -> memref<1000000x64xf32, #tpu.memory_space<hbm>>
      tpu.enqueue_indirect_dma source(%dma_start3A_69 : memref<1000000x64xf32, #tpu.memory_space<hbm>>) target(%dma_start3A_63 : memref<96x64xf32, #tpu.memory_space<vmem>>) offsets(%dma_start3A_66 : memref<96xi32, #tpu.memory_space<vmem>>) semaphore(%arg9 : memref<!tpu.dma_semaphore, #tpu.memory_space<semaphore_mem>>)
      %dma_wait3A = arith.constant 0 : i32
      %dma_wait3A_70 = arith.constant 0 : i32
      %dma_wait3A_71 = tpu.memref_slice %arg6[%scan3A_33, %dma_wait3A, %dma_wait3A_70] : memref<2x200x64xf32, #tpu.memory_space<vmem>> -> memref<1x200x64xf32, #tpu.memory_space<vmem>>
      %dma_wait3A_72 = tpu.memref_squeeze %dma_wait3A_71 : memref<1x200x64xf32, #tpu.memory_space<vmem>> -> memref<200x64xf32, #tpu.memory_space<vmem>>
      %dma_wait3A_73 = arith.constant 0 : i32
      %dma_wait3A_74 = arith.constant 0 : i32
      %dma_wait3A_75 = tpu.memref_slice %dma_wait3A_72[%dma_wait3A_73, %dma_wait3A_74] : memref<200x64xf32, #tpu.memory_space<vmem>> -> memref<104x64xf32, #tpu.memory_space<vmem>>
      %dma_wait3A_76 = arith.constant 0 : i32
      %dma_wait3A_77 = tpu.memref_slice %arg5[%mul3A_41, %dma_wait3A_76] : memref<128x200xi32, #tpu.memory_space<vmem>> -> memref<1x104xi32, #tpu.memory_space<vmem>>
      %dma_wait3A_78 = tpu.memref_squeeze %dma_wait3A_77 : memref<1x104xi32, #tpu.memory_space<vmem>> -> memref<104xi32, #tpu.memory_space<vmem>>
      %dma_wait3A_79 = arith.constant 0 : i32
      %dma_wait3A_80 = arith.constant 0 : i32
      %dma_wait3A_81 = tpu.memref_slice %arg3[%dma_wait3A_79, %dma_wait3A_80] : memref<1000000x64xf32, #tpu.memory_space<hbm>> -> memref<1000000x64xf32, #tpu.memory_space<hbm>>
      tpu.wait_indirect_dma semaphore(%arg8 : memref<!tpu.dma_semaphore, #tpu.memory_space<semaphore_mem>>) src(%dma_wait3A_81 : memref<1000000x64xf32, #tpu.memory_space<hbm>>) dst(%dma_wait3A_75 : memref<104x64xf32, #tpu.memory_space<vmem>>)
      %dma_wait3A_82 = arith.constant 0 : i32
      %dma_wait3A_83 = arith.constant 0 : i32
      %dma_wait3A_84 = tpu.memref_slice %arg6[%scan3A_33, %dma_wait3A_82, %dma_wait3A_83] : memref<2x200x64xf32, #tpu.memory_space<vmem>> -> memref<1x200x64xf32, #tpu.memory_space<vmem>>
      %dma_wait3A_85 = tpu.memref_squeeze %dma_wait3A_84 : memref<1x200x64xf32, #tpu.memory_space<vmem>> -> memref<200x64xf32, #tpu.memory_space<vmem>>
      %dma_wait3A_86 = arith.constant 104 : i32
      %dma_wait3A_87 = arith.constant 0 : i32
      %dma_wait3A_88 = tpu.memref_slice %dma_wait3A_85[%dma_wait3A_86, %dma_wait3A_87] : memref<200x64xf32, #tpu.memory_space<vmem>> -> memref<96x64xf32, #tpu.memory_space<vmem>>
      %dma_wait3A_89 = arith.constant 104 : i32
      %dma_wait3A_90 = tpu.memref_slice %arg5[%mul3A_41, %dma_wait3A_89] : memref<128x200xi32, #tpu.memory_space<vmem>> -> memref<1x96xi32, #tpu.memory_space<vmem>>
      %dma_wait3A_91 = tpu.memref_squeeze %dma_wait3A_90 : memref<1x96xi32, #tpu.memory_space<vmem>> -> memref<96xi32, #tpu.memory_space<vmem>>
      %dma_wait3A_92 = arith.constant 0 : i32
      %dma_wait3A_93 = arith.constant 0 : i32
      %dma_wait3A_94 = tpu.memref_slice %arg3[%dma_wait3A_92, %dma_wait3A_93] : memref<1000000x64xf32, #tpu.memory_space<hbm>> -> memref<1000000x64xf32, #tpu.memory_space<hbm>>
      tpu.wait_indirect_dma semaphore(%arg8 : memref<!tpu.dma_semaphore, #tpu.memory_space<semaphore_mem>>) src(%dma_wait3A_94 : memref<1000000x64xf32, #tpu.memory_space<hbm>>) dst(%dma_wait3A_88 : memref<96x64xf32, #tpu.memory_space<vmem>>)
      %broadcast_in_dim3A = arith.constant 0.000000e+00 : f32
      %broadcast_in_dim3A_95 = vector.broadcast %broadcast_in_dim3A : f32 to vector<16xf32>
      %scan3A_96 = arith.constant 0 : i32
      %scan3A_97 = arith.constant 200 : i32
      %scan3A_98 = arith.addi %scan3A_96, %scan3A_97 : i32
      %scan3A_99 = arith.constant 8 : i32
      %scan3A_100:4 = scf.for %scan3A_181 = %scan3A_96 to %scan3A_98 step %scan3A_99 iter_args(%scan3A_182 = %broadcast_in_dim3A_95, %scan3A_183 = %broadcast_in_dim3A_95, %scan3A_184 = %broadcast_in_dim3A_95, %scan3A_185 = %broadcast_in_dim3A_95) -> (vector<16xf32>, vector<16xf32>, vector<16xf32>, vector<16xf32>)  : i32 {
        %get3A = arith.constant 0 : i32
        %get3A_186 = arith.constant 0 : i32
        %get3A_187 = tpu.memref_slice %arg6[%scan3A_33, %get3A, %get3A_186] : memref<2x200x64xf32, #tpu.memory_space<vmem>> -> memref<1x200x64xf32, #tpu.memory_space<vmem>>
        %get3A_188 = tpu.memref_squeeze %get3A_187 : memref<1x200x64xf32, #tpu.memory_space<vmem>> -> memref<200x64xf32, #tpu.memory_space<vmem>>
        %get3A_189 = arith.index_cast %scan3A_181 : i32 to index
        %get3A_190 = arith.constant 0 : index
        %get3A_191 = tpu.vector_load %get3A_188[%get3A_189, %get3A_190] {strides = array<i32>} : memref<200x64xf32, #tpu.memory_space<vmem>>, vector<1x16xf32>,
        %get3A_192 = vector.shape_cast %get3A_191 : vector<1x16xf32> to vector<16xf32>
        %add3A_193 = arith.addf %scan3A_182, %get3A_192 : vector<16xf32>
        %get3A_194 = arith.constant 0 : i32
        %get3A_195 = arith.constant 0 : i32
        %get3A_196 = tpu.memref_slice %arg6[%scan3A_33, %get3A_194, %get3A_195] : memref<2x200x64xf32, #tpu.memory_space<vmem>> -> memref<1x200x64xf32, #tpu.memory_space<vmem>>
        %get3A_197 = tpu.memref_squeeze %get3A_196 : memref<1x200x64xf32, #tpu.memory_space<vmem>> -> memref<200x64xf32, #tpu.memory_space<vmem>>
        %get3A_198 = arith.index_cast %scan3A_181 : i32 to index
        %get3A_199 = arith.constant 16 : index
        %get3A_200 = tpu.vector_load %get3A_197[%get3A_198, %get3A_199] {strides = array<i32>} : memref<200x64xf32, #tpu.memory_space<vmem>>, vector<1x16xf32>,
        %get3A_201 = vector.shape_cast %get3A_200 : vector<1x16xf32> to vector<16xf32>
        %add3A_202 = arith.addf %scan3A_183, %get3A_201 : vector<16xf32>
        %get3A_203 = arith.constant 0 : i32
        %get3A_204 = arith.constant 0 : i32
        %get3A_205 = tpu.memref_slice %arg6[%scan3A_33, %get3A_203, %get3A_204] : memref<2x200x64xf32, #tpu.memory_space<vmem>> -> memref<1x200x64xf32, #tpu.memory_space<vmem>>
        %get3A_206 = tpu.memref_squeeze %get3A_205 : memref<1x200x64xf32, #tpu.memory_space<vmem>> -> memref<200x64xf32, #tpu.memory_space<vmem>>
        %get3A_207 = arith.index_cast %scan3A_181 : i32 to index
        %get3A_208 = arith.constant 32 : index
        %get3A_209 = tpu.vector_load %get3A_206[%get3A_207, %get3A_208] {strides = array<i32>} : memref<200x64xf32, #tpu.memory_space<vmem>>, vector<1x16xf32>,
        %get3A_210 = vector.shape_cast %get3A_209 : vector<1x16xf32> to vector<16xf32>
        %add3A_211 = arith.addf %scan3A_184, %get3A_210 : vector<16xf32>
        %get3A_212 = arith.constant 0 : i32
        %get3A_213 = arith.constant 0 : i32
        %get3A_214 = tpu.memref_slice %arg6[%scan3A_33, %get3A_212, %get3A_213] : memref<2x200x64xf32, #tpu.memory_space<vmem>> -> memref<1x200x64xf32, #tpu.memory_space<vmem>>
        %get3A_215 = tpu.memref_squeeze %get3A_214 : memref<1x200x64xf32, #tpu.memory_space<vmem>> -> memref<200x64xf32, #tpu.memory_space<vmem>>
        %get3A_216 = arith.index_cast %scan3A_181 : i32 to index
        %get3A_217 = arith.constant 48 : index
        %get3A_218 = tpu.vector_load %get3A_215[%get3A_216, %get3A_217] {strides = array<i32>} : memref<200x64xf32, #tpu.memory_space<vmem>>, vector<1x16xf32>,
        %get3A_219 = vector.shape_cast %get3A_218 : vector<1x16xf32> to vector<16xf32>
        %add3A_220 = arith.addf %scan3A_185, %get3A_219 : vector<16xf32>
        %scan3A_221 = arith.constant 1 : i32
        %scan3A_222 = arith.addi %scan3A_181, %scan3A_221 : i32
        %get3A_223 = arith.constant 0 : i32
        %get3A_224 = arith.constant 0 : i32
        %get3A_225 = tpu.memref_slice %arg6[%scan3A_33, %get3A_223, %get3A_224] : memref<2x200x64xf32, #tpu.memory_space<vmem>> -> memref<1x200x64xf32, #tpu.memory_space<vmem>>
        %get3A_226 = tpu.memref_squeeze %get3A_225 : memref<1x200x64xf32, #tpu.memory_space<vmem>> -> memref<200x64xf32, #tpu.memory_space<vmem>>
        %get3A_227 = arith.index_cast %scan3A_222 : i32 to index
        %get3A_228 = arith.constant 0 : index
        %get3A_229 = tpu.vector_load %get3A_226[%get3A_227, %get3A_228] {strides = array<i32>} : memref<200x64xf32, #tpu.memory_space<vmem>>, vector<1x16xf32>,
        %get3A_230 = vector.shape_cast %get3A_229 : vector<1x16xf32> to vector<16xf32>
        %add3A_231 = arith.addf %add3A_193, %get3A_230 : vector<16xf32>
        %get3A_232 = arith.constant 0 : i32
        %get3A_233 = arith.constant 0 : i32
        %get3A_234 = tpu.memref_slice %arg6[%scan3A_33, %get3A_232, %get3A_233] : memref<2x200x64xf32, #tpu.memory_space<vmem>> -> memref<1x200x64xf32, #tpu.memory_space<vmem>>
        %get3A_235 = tpu.memref_squeeze %get3A_234 : memref<1x200x64xf32, #tpu.memory_space<vmem>> -> memref<200x64xf32, #tpu.memory_space<vmem>>
        %get3A_236 = arith.index_cast %scan3A_222 : i32 to index
        %get3A_237 = arith.constant 16 : index
        %get3A_238 = tpu.vector_load %get3A_235[%get3A_236, %get3A_237] {strides = array<i32>} : memref<200x64xf32, #tpu.memory_space<vmem>>, vector<1x16xf32>,
        %get3A_239 = vector.shape_cast %get3A_238 : vector<1x16xf32> to vector<16xf32>
        %add3A_240 = arith.addf %add3A_202, %get3A_239 : vector<16xf32>
        %get3A_241 = arith.constant 0 : i32
        %get3A_242 = arith.constant 0 : i32
        %get3A_243 = tpu.memref_slice %arg6[%scan3A_33, %get3A_241, %get3A_242] : memref<2x200x64xf32, #tpu.memory_space<vmem>> -> memref<1x200x64xf32, #tpu.memory_space<vmem>>
        %get3A_244 = tpu.memref_squeeze %get3A_243 : memref<1x200x64xf32, #tpu.memory_space<vmem>> -> memref<200x64xf32, #tpu.memory_space<vmem>>
        %get3A_245 = arith.index_cast %scan3A_222 : i32 to index
        %get3A_246 = arith.constant 32 : index
        %get3A_247 = tpu.vector_load %get3A_244[%get3A_245, %get3A_246] {strides = array<i32>} : memref<200x64xf32, #tpu.memory_space<vmem>>, vector<1x16xf32>,
        %get3A_248 = vector.shape_cast %get3A_247 : vector<1x16xf32> to vector<16xf32>
        %add3A_249 = arith.addf %add3A_211, %get3A_248 : vector<16xf32>
        %get3A_250 = arith.constant 0 : i32
        %get3A_251 = arith.constant 0 : i32
        %get3A_252 = tpu.memref_slice %arg6[%scan3A_33, %get3A_250, %get3A_251] : memref<2x200x64xf32, #tpu.memory_space<vmem>> -> memref<1x200x64xf32, #tpu.memory_space<vmem>>
        %get3A_253 = tpu.memref_squeeze %get3A_252 : memref<1x200x64xf32, #tpu.memory_space<vmem>> -> memref<200x64xf32, #tpu.memory_space<vmem>>
        %get3A_254 = arith.index_cast %scan3A_222 : i32 to index
        %get3A_255 = arith.constant 48 : index
        %get3A_256 = tpu.vector_load %get3A_253[%get3A_254, %get3A_255] {strides = array<i32>} : memref<200x64xf32, #tpu.memory_space<vmem>>, vector<1x16xf32>,
        %get3A_257 = vector.shape_cast %get3A_256 : vector<1x16xf32> to vector<16xf32>
        %add3A_258 = arith.addf %add3A_220, %get3A_257 : vector<16xf32>
        %scan3A_259 = arith.constant 2 : i32
        %scan3A_260 = arith.addi %scan3A_181, %scan3A_259 : i32
        %get3A_261 = arith.constant 0 : i32
        %get3A_262 = arith.constant 0 : i32
        %get3A_263 = tpu.memref_slice %arg6[%scan3A_33, %get3A_261, %get3A_262] : memref<2x200x64xf32, #tpu.memory_space<vmem>> -> memref<1x200x64xf32, #tpu.memory_space<vmem>>
        %get3A_264 = tpu.memref_squeeze %get3A_263 : memref<1x200x64xf32, #tpu.memory_space<vmem>> -> memref<200x64xf32, #tpu.memory_space<vmem>>
        %get3A_265 = arith.index_cast %scan3A_260 : i32 to index
        %get3A_266 = arith.constant 0 : index
        %get3A_267 = tpu.vector_load %get3A_264[%get3A_265, %get3A_266] {strides = array<i32>} : memref<200x64xf32, #tpu.memory_space<vmem>>, vector<1x16xf32>,
        %get3A_268 = vector.shape_cast %get3A_267 : vector<1x16xf32> to vector<16xf32>
        %add3A_269 = arith.addf %add3A_231, %get3A_268 : vector<16xf32>
        %get3A_270 = arith.constant 0 : i32
        %get3A_271 = arith.constant 0 : i32
        %get3A_272 = tpu.memref_slice %arg6[%scan3A_33, %get3A_270, %get3A_271] : memref<2x200x64xf32, #tpu.memory_space<vmem>> -> memref<1x200x64xf32, #tpu.memory_space<vmem>>
        %get3A_273 = tpu.memref_squeeze %get3A_272 : memref<1x200x64xf32, #tpu.memory_space<vmem>> -> memref<200x64xf32, #tpu.memory_space<vmem>>
        %get3A_274 = arith.index_cast %scan3A_260 : i32 to index
        %get3A_275 = arith.constant 16 : index
        %get3A_276 = tpu.vector_load %get3A_273[%get3A_274, %get3A_275] {strides = array<i32>} : memref<200x64xf32, #tpu.memory_space<vmem>>, vector<1x16xf32>,
        %get3A_277 = vector.shape_cast %get3A_276 : vector<1x16xf32> to vector<16xf32>
        %add3A_278 = arith.addf %add3A_240, %get3A_277 : vector<16xf32>
        %get3A_279 = arith.constant 0 : i32
        %get3A_280 = arith.constant 0 : i32
        %get3A_281 = tpu.memref_slice %arg6[%scan3A_33, %get3A_279, %get3A_280] : memref<2x200x64xf32, #tpu.memory_space<vmem>> -> memref<1x200x64xf32, #tpu.memory_space<vmem>>
        %get3A_282 = tpu.memref_squeeze %get3A_281 : memref<1x200x64xf32, #tpu.memory_space<vmem>> -> memref<200x64xf32, #tpu.memory_space<vmem>>
        %get3A_283 = arith.index_cast %scan3A_260 : i32 to index
        %get3A_284 = arith.constant 32 : index
        %get3A_285 = tpu.vector_load %get3A_282[%get3A_283, %get3A_284] {strides = array<i32>} : memref<200x64xf32, #tpu.memory_space<vmem>>, vector<1x16xf32>,
        %get3A_286 = vector.shape_cast %get3A_285 : vector<1x16xf32> to vector<16xf32>
        %add3A_287 = arith.addf %add3A_249, %get3A_286 : vector<16xf32>
        %get3A_288 = arith.constant 0 : i32
        %get3A_289 = arith.constant 0 : i32
        %get3A_290 = tpu.memref_slice %arg6[%scan3A_33, %get3A_288, %get3A_289] : memref<2x200x64xf32, #tpu.memory_space<vmem>> -> memref<1x200x64xf32, #tpu.memory_space<vmem>>
        %get3A_291 = tpu.memref_squeeze %get3A_290 : memref<1x200x64xf32, #tpu.memory_space<vmem>> -> memref<200x64xf32, #tpu.memory_space<vmem>>
        %get3A_292 = arith.index_cast %scan3A_260 : i32 to index
        %get3A_293 = arith.constant 48 : index
        %get3A_294 = tpu.vector_load %get3A_291[%get3A_292, %get3A_293] {strides = array<i32>} : memref<200x64xf32, #tpu.memory_space<vmem>>, vector<1x16xf32>,
        %get3A_295 = vector.shape_cast %get3A_294 : vector<1x16xf32> to vector<16xf32>
        %add3A_296 = arith.addf %add3A_258, %get3A_295 : vector<16xf32>
        %scan3A_297 = arith.constant 3 : i32
        %scan3A_298 = arith.addi %scan3A_181, %scan3A_297 : i32
        %get3A_299 = arith.constant 0 : i32
        %get3A_300 = arith.constant 0 : i32
        %get3A_301 = tpu.memref_slice %arg6[%scan3A_33, %get3A_299, %get3A_300] : memref<2x200x64xf32, #tpu.memory_space<vmem>> -> memref<1x200x64xf32, #tpu.memory_space<vmem>>
        %get3A_302 = tpu.memref_squeeze %get3A_301 : memref<1x200x64xf32, #tpu.memory_space<vmem>> -> memref<200x64xf32, #tpu.memory_space<vmem>>
        %get3A_303 = arith.index_cast %scan3A_298 : i32 to index
        %get3A_304 = arith.constant 0 : index
        %get3A_305 = tpu.vector_load %get3A_302[%get3A_303, %get3A_304] {strides = array<i32>} : memref<200x64xf32, #tpu.memory_space<vmem>>, vector<1x16xf32>,
        %get3A_306 = vector.shape_cast %get3A_305 : vector<1x16xf32> to vector<16xf32>
        %add3A_307 = arith.addf %add3A_269, %get3A_306 : vector<16xf32>
        %get3A_308 = arith.constant 0 : i32
        %get3A_309 = arith.constant 0 : i32
        %get3A_310 = tpu.memref_slice %arg6[%scan3A_33, %get3A_308, %get3A_309] : memref<2x200x64xf32, #tpu.memory_space<vmem>> -> memref<1x200x64xf32, #tpu.memory_space<vmem>>
        %get3A_311 = tpu.memref_squeeze %get3A_310 : memref<1x200x64xf32, #tpu.memory_space<vmem>> -> memref<200x64xf32, #tpu.memory_space<vmem>>
        %get3A_312 = arith.index_cast %scan3A_298 : i32 to index
        %get3A_313 = arith.constant 16 : index
        %get3A_314 = tpu.vector_load %get3A_311[%get3A_312, %get3A_313] {strides = array<i32>} : memref<200x64xf32, #tpu.memory_space<vmem>>, vector<1x16xf32>,
        %get3A_315 = vector.shape_cast %get3A_314 : vector<1x16xf32> to vector<16xf32>
        %add3A_316 = arith.addf %add3A_278, %get3A_315 : vector<16xf32>
        %get3A_317 = arith.constant 0 : i32
        %get3A_318 = arith.constant 0 : i32
        %get3A_319 = tpu.memref_slice %arg6[%scan3A_33, %get3A_317, %get3A_318] : memref<2x200x64xf32, #tpu.memory_space<vmem>> -> memref<1x200x64xf32, #tpu.memory_space<vmem>>
        %get3A_320 = tpu.memref_squeeze %get3A_319 : memref<1x200x64xf32, #tpu.memory_space<vmem>> -> memref<200x64xf32, #tpu.memory_space<vmem>>
        %get3A_321 = arith.index_cast %scan3A_298 : i32 to index
        %get3A_322 = arith.constant 32 : index
        %get3A_323 = tpu.vector_load %get3A_320[%get3A_321, %get3A_322] {strides = array<i32>} : memref<200x64xf32, #tpu.memory_space<vmem>>, vector<1x16xf32>,
        %get3A_324 = vector.shape_cast %get3A_323 : vector<1x16xf32> to vector<16xf32>
        %add3A_325 = arith.addf %add3A_287, %get3A_324 : vector<16xf32>
        %get3A_326 = arith.constant 0 : i32
        %get3A_327 = arith.constant 0 : i32
        %get3A_328 = tpu.memref_slice %arg6[%scan3A_33, %get3A_326, %get3A_327] : memref<2x200x64xf32, #tpu.memory_space<vmem>> -> memref<1x200x64xf32, #tpu.memory_space<vmem>>
        %get3A_329 = tpu.memref_squeeze %get3A_328 : memref<1x200x64xf32, #tpu.memory_space<vmem>> -> memref<200x64xf32, #tpu.memory_space<vmem>>
        %get3A_330 = arith.index_cast %scan3A_298 : i32 to index
        %get3A_331 = arith.constant 48 : index
        %get3A_332 = tpu.vector_load %get3A_329[%get3A_330, %get3A_331] {strides = array<i32>} : memref<200x64xf32, #tpu.memory_space<vmem>>, vector<1x16xf32>,
        %get3A_333 = vector.shape_cast %get3A_332 : vector<1x16xf32> to vector<16xf32>
        %add3A_334 = arith.addf %add3A_296, %get3A_333 : vector<16xf32>
        %scan3A_335 = arith.constant 4 : i32
        %scan3A_336 = arith.addi %scan3A_181, %scan3A_335 : i32
        %get3A_337 = arith.constant 0 : i32
        %get3A_338 = arith.constant 0 : i32
        %get3A_339 = tpu.memref_slice %arg6[%scan3A_33, %get3A_337, %get3A_338] : memref<2x200x64xf32, #tpu.memory_space<vmem>> -> memref<1x200x64xf32, #tpu.memory_space<vmem>>
        %get3A_340 = tpu.memref_squeeze %get3A_339 : memref<1x200x64xf32, #tpu.memory_space<vmem>> -> memref<200x64xf32, #tpu.memory_space<vmem>>
        %get3A_341 = arith.index_cast %scan3A_336 : i32 to index
        %get3A_342 = arith.constant 0 : index
        %get3A_343 = tpu.vector_load %get3A_340[%get3A_341, %get3A_342] {strides = array<i32>} : memref<200x64xf32, #tpu.memory_space<vmem>>, vector<1x16xf32>,
        %get3A_344 = vector.shape_cast %get3A_343 : vector<1x16xf32> to vector<16xf32>
        %add3A_345 = arith.addf %add3A_307, %get3A_344 : vector<16xf32>
        %get3A_346 = arith.constant 0 : i32
        %get3A_347 = arith.constant 0 : i32
        %get3A_348 = tpu.memref_slice %arg6[%scan3A_33, %get3A_346, %get3A_347] : memref<2x200x64xf32, #tpu.memory_space<vmem>> -> memref<1x200x64xf32, #tpu.memory_space<vmem>>
        %get3A_349 = tpu.memref_squeeze %get3A_348 : memref<1x200x64xf32, #tpu.memory_space<vmem>> -> memref<200x64xf32, #tpu.memory_space<vmem>>
        %get3A_350 = arith.index_cast %scan3A_336 : i32 to index
        %get3A_351 = arith.constant 16 : index
        %get3A_352 = tpu.vector_load %get3A_349[%get3A_350, %get3A_351] {strides = array<i32>} : memref<200x64xf32, #tpu.memory_space<vmem>>, vector<1x16xf32>,
        %get3A_353 = vector.shape_cast %get3A_352 : vector<1x16xf32> to vector<16xf32>
        %add3A_354 = arith.addf %add3A_316, %get3A_353 : vector<16xf32>
        %get3A_355 = arith.constant 0 : i32
        %get3A_356 = arith.constant 0 : i32
        %get3A_357 = tpu.memref_slice %arg6[%scan3A_33, %get3A_355, %get3A_356] : memref<2x200x64xf32, #tpu.memory_space<vmem>> -> memref<1x200x64xf32, #tpu.memory_space<vmem>>
        %get3A_358 = tpu.memref_squeeze %get3A_357 : memref<1x200x64xf32, #tpu.memory_space<vmem>> -> memref<200x64xf32, #tpu.memory_space<vmem>>
        %get3A_359 = arith.index_cast %scan3A_336 : i32 to index
        %get3A_360 = arith.constant 32 : index
        %get3A_361 = tpu.vector_load %get3A_358[%get3A_359, %get3A_360] {strides = array<i32>} : memref<200x64xf32, #tpu.memory_space<vmem>>, vector<1x16xf32>,
        %get3A_362 = vector.shape_cast %get3A_361 : vector<1x16xf32> to vector<16xf32>
        %add3A_363 = arith.addf %add3A_325, %get3A_362 : vector<16xf32>
        %get3A_364 = arith.constant 0 : i32
        %get3A_365 = arith.constant 0 : i32
        %get3A_366 = tpu.memref_slice %arg6[%scan3A_33, %get3A_364, %get3A_365] : memref<2x200x64xf32, #tpu.memory_space<vmem>> -> memref<1x200x64xf32, #tpu.memory_space<vmem>>
        %get3A_367 = tpu.memref_squeeze %get3A_366 : memref<1x200x64xf32, #tpu.memory_space<vmem>> -> memref<200x64xf32, #tpu.memory_space<vmem>>
        %get3A_368 = arith.index_cast %scan3A_336 : i32 to index
        %get3A_369 = arith.constant 48 : index
        %get3A_370 = tpu.vector_load %get3A_367[%get3A_368, %get3A_369] {strides = array<i32>} : memref<200x64xf32, #tpu.memory_space<vmem>>, vector<1x16xf32>,
        %get3A_371 = vector.shape_cast %get3A_370 : vector<1x16xf32> to vector<16xf32>
        %add3A_372 = arith.addf %add3A_334, %get3A_371 : vector<16xf32>
        %scan3A_373 = arith.constant 5 : i32
        %scan3A_374 = arith.addi %scan3A_181, %scan3A_373 : i32
        %get3A_375 = arith.constant 0 : i32
        %get3A_376 = arith.constant 0 : i32
        %get3A_377 = tpu.memref_slice %arg6[%scan3A_33, %get3A_375, %get3A_376] : memref<2x200x64xf32, #tpu.memory_space<vmem>> -> memref<1x200x64xf32, #tpu.memory_space<vmem>>
        %get3A_378 = tpu.memref_squeeze %get3A_377 : memref<1x200x64xf32, #tpu.memory_space<vmem>> -> memref<200x64xf32, #tpu.memory_space<vmem>>
        %get3A_379 = arith.index_cast %scan3A_374 : i32 to index
        %get3A_380 = arith.constant 0 : index
        %get3A_381 = tpu.vector_load %get3A_378[%get3A_379, %get3A_380] {strides = array<i32>} : memref<200x64xf32, #tpu.memory_space<vmem>>, vector<1x16xf32>,
        %get3A_382 = vector.shape_cast %get3A_381 : vector<1x16xf32> to vector<16xf32>
        %add3A_383 = arith.addf %add3A_345, %get3A_382 : vector<16xf32>
        %get3A_384 = arith.constant 0 : i32
        %get3A_385 = arith.constant 0 : i32
        %get3A_386 = tpu.memref_slice %arg6[%scan3A_33, %get3A_384, %get3A_385] : memref<2x200x64xf32, #tpu.memory_space<vmem>> -> memref<1x200x64xf32, #tpu.memory_space<vmem>>
        %get3A_387 = tpu.memref_squeeze %get3A_386 : memref<1x200x64xf32, #tpu.memory_space<vmem>> -> memref<200x64xf32, #tpu.memory_space<vmem>>
        %get3A_388 = arith.index_cast %scan3A_374 : i32 to index
        %get3A_389 = arith.constant 16 : index
        %get3A_390 = tpu.vector_load %get3A_387[%get3A_388, %get3A_389] {strides = array<i32>} : memref<200x64xf32, #tpu.memory_space<vmem>>, vector<1x16xf32>,
        %get3A_391 = vector.shape_cast %get3A_390 : vector<1x16xf32> to vector<16xf32>
        %add3A_392 = arith.addf %add3A_354, %get3A_391 : vector<16xf32>
        %get3A_393 = arith.constant 0 : i32
        %get3A_394 = arith.constant 0 : i32
        %get3A_395 = tpu.memref_slice %arg6[%scan3A_33, %get3A_393, %get3A_394] : memref<2x200x64xf32, #tpu.memory_space<vmem>> -> memref<1x200x64xf32, #tpu.memory_space<vmem>>
        %get3A_396 = tpu.memref_squeeze %get3A_395 : memref<1x200x64xf32, #tpu.memory_space<vmem>> -> memref<200x64xf32, #tpu.memory_space<vmem>>
        %get3A_397 = arith.index_cast %scan3A_374 : i32 to index
        %get3A_398 = arith.constant 32 : index
        %get3A_399 = tpu.vector_load %get3A_396[%get3A_397, %get3A_398] {strides = array<i32>} : memref<200x64xf32, #tpu.memory_space<vmem>>, vector<1x16xf32>,
        %get3A_400 = vector.shape_cast %get3A_399 : vector<1x16xf32> to vector<16xf32>
        %add3A_401 = arith.addf %add3A_363, %get3A_400 : vector<16xf32>
        %get3A_402 = arith.constant 0 : i32
        %get3A_403 = arith.constant 0 : i32
        %get3A_404 = tpu.memref_slice %arg6[%scan3A_33, %get3A_402, %get3A_403] : memref<2x200x64xf32, #tpu.memory_space<vmem>> -> memref<1x200x64xf32, #tpu.memory_space<vmem>>
        %get3A_405 = tpu.memref_squeeze %get3A_404 : memref<1x200x64xf32, #tpu.memory_space<vmem>> -> memref<200x64xf32, #tpu.memory_space<vmem>>
        %get3A_406 = arith.index_cast %scan3A_374 : i32 to index
        %get3A_407 = arith.constant 48 : index
        %get3A_408 = tpu.vector_load %get3A_405[%get3A_406, %get3A_407] {strides = array<i32>} : memref<200x64xf32, #tpu.memory_space<vmem>>, vector<1x16xf32>,
        %get3A_409 = vector.shape_cast %get3A_408 : vector<1x16xf32> to vector<16xf32>
        %add3A_410 = arith.addf %add3A_372, %get3A_409 : vector<16xf32>
        %scan3A_411 = arith.constant 6 : i32
        %scan3A_412 = arith.addi %scan3A_181, %scan3A_411 : i32
        %get3A_413 = arith.constant 0 : i32
        %get3A_414 = arith.constant 0 : i32
        %get3A_415 = tpu.memref_slice %arg6[%scan3A_33, %get3A_413, %get3A_414] : memref<2x200x64xf32, #tpu.memory_space<vmem>> -> memref<1x200x64xf32, #tpu.memory_space<vmem>>
        %get3A_416 = tpu.memref_squeeze %get3A_415 : memref<1x200x64xf32, #tpu.memory_space<vmem>> -> memref<200x64xf32, #tpu.memory_space<vmem>>
        %get3A_417 = arith.index_cast %scan3A_412 : i32 to index
        %get3A_418 = arith.constant 0 : index
        %get3A_419 = tpu.vector_load %get3A_416[%get3A_417, %get3A_418] {strides = array<i32>} : memref<200x64xf32, #tpu.memory_space<vmem>>, vector<1x16xf32>,
        %get3A_420 = vector.shape_cast %get3A_419 : vector<1x16xf32> to vector<16xf32>
        %add3A_421 = arith.addf %add3A_383, %get3A_420 : vector<16xf32>
        %get3A_422 = arith.constant 0 : i32
        %get3A_423 = arith.constant 0 : i32
        %get3A_424 = tpu.memref_slice %arg6[%scan3A_33, %get3A_422, %get3A_423] : memref<2x200x64xf32, #tpu.memory_space<vmem>> -> memref<1x200x64xf32, #tpu.memory_space<vmem>>
        %get3A_425 = tpu.memref_squeeze %get3A_424 : memref<1x200x64xf32, #tpu.memory_space<vmem>> -> memref<200x64xf32, #tpu.memory_space<vmem>>
        %get3A_426 = arith.index_cast %scan3A_412 : i32 to index
        %get3A_427 = arith.constant 16 : index
        %get3A_428 = tpu.vector_load %get3A_425[%get3A_426, %get3A_427] {strides = array<i32>} : memref<200x64xf32, #tpu.memory_space<vmem>>, vector<1x16xf32>,
        %get3A_429 = vector.shape_cast %get3A_428 : vector<1x16xf32> to vector<16xf32>
        %add3A_430 = arith.addf %add3A_392, %get3A_429 : vector<16xf32>
        %get3A_431 = arith.constant 0 : i32
        %get3A_432 = arith.constant 0 : i32
        %get3A_433 = tpu.memref_slice %arg6[%scan3A_33, %get3A_431, %get3A_432] : memref<2x200x64xf32, #tpu.memory_space<vmem>> -> memref<1x200x64xf32, #tpu.memory_space<vmem>>
        %get3A_434 = tpu.memref_squeeze %get3A_433 : memref<1x200x64xf32, #tpu.memory_space<vmem>> -> memref<200x64xf32, #tpu.memory_space<vmem>>
        %get3A_435 = arith.index_cast %scan3A_412 : i32 to index
        %get3A_436 = arith.constant 32 : index
        %get3A_437 = tpu.vector_load %get3A_434[%get3A_435, %get3A_436] {strides = array<i32>} : memref<200x64xf32, #tpu.memory_space<vmem>>, vector<1x16xf32>,
        %get3A_438 = vector.shape_cast %get3A_437 : vector<1x16xf32> to vector<16xf32>
        %add3A_439 = arith.addf %add3A_401, %get3A_438 : vector<16xf32>
        %get3A_440 = arith.constant 0 : i32
        %get3A_441 = arith.constant 0 : i32
        %get3A_442 = tpu.memref_slice %arg6[%scan3A_33, %get3A_440, %get3A_441] : memref<2x200x64xf32, #tpu.memory_space<vmem>> -> memref<1x200x64xf32, #tpu.memory_space<vmem>>
        %get3A_443 = tpu.memref_squeeze %get3A_442 : memref<1x200x64xf32, #tpu.memory_space<vmem>> -> memref<200x64xf32, #tpu.memory_space<vmem>>
        %get3A_444 = arith.index_cast %scan3A_412 : i32 to index
        %get3A_445 = arith.constant 48 : index
        %get3A_446 = tpu.vector_load %get3A_443[%get3A_444, %get3A_445] {strides = array<i32>} : memref<200x64xf32, #tpu.memory_space<vmem>>, vector<1x16xf32>,
        %get3A_447 = vector.shape_cast %get3A_446 : vector<1x16xf32> to vector<16xf32>
        %add3A_448 = arith.addf %add3A_410, %get3A_447 : vector<16xf32>
        %scan3A_449 = arith.constant 7 : i32
        %scan3A_450 = arith.addi %scan3A_181, %scan3A_449 : i32
        %get3A_451 = arith.constant 0 : i32
        %get3A_452 = arith.constant 0 : i32
        %get3A_453 = tpu.memref_slice %arg6[%scan3A_33, %get3A_451, %get3A_452] : memref<2x200x64xf32, #tpu.memory_space<vmem>> -> memref<1x200x64xf32, #tpu.memory_space<vmem>>
        %get3A_454 = tpu.memref_squeeze %get3A_453 : memref<1x200x64xf32, #tpu.memory_space<vmem>> -> memref<200x64xf32, #tpu.memory_space<vmem>>
        %get3A_455 = arith.index_cast %scan3A_450 : i32 to index
        %get3A_456 = arith.constant 0 : index
        %get3A_457 = tpu.vector_load %get3A_454[%get3A_455, %get3A_456] {strides = array<i32>} : memref<200x64xf32, #tpu.memory_space<vmem>>, vector<1x16xf32>,
        %get3A_458 = vector.shape_cast %get3A_457 : vector<1x16xf32> to vector<16xf32>
        %add3A_459 = arith.addf %add3A_421, %get3A_458 : vector<16xf32>
        %get3A_460 = arith.constant 0 : i32
        %get3A_461 = arith.constant 0 : i32
        %get3A_462 = tpu.memref_slice %arg6[%scan3A_33, %get3A_460, %get3A_461] : memref<2x200x64xf32, #tpu.memory_space<vmem>> -> memref<1x200x64xf32, #tpu.memory_space<vmem>>
        %get3A_463 = tpu.memref_squeeze %get3A_462 : memref<1x200x64xf32, #tpu.memory_space<vmem>> -> memref<200x64xf32, #tpu.memory_space<vmem>>
        %get3A_464 = arith.index_cast %scan3A_450 : i32 to index
        %get3A_465 = arith.constant 16 : index
        %get3A_466 = tpu.vector_load %get3A_463[%get3A_464, %get3A_465] {strides = array<i32>} : memref<200x64xf32, #tpu.memory_space<vmem>>, vector<1x16xf32>,
        %get3A_467 = vector.shape_cast %get3A_466 : vector<1x16xf32> to vector<16xf32>
        %add3A_468 = arith.addf %add3A_430, %get3A_467 : vector<16xf32>
        %get3A_469 = arith.constant 0 : i32
        %get3A_470 = arith.constant 0 : i32
        %get3A_471 = tpu.memref_slice %arg6[%scan3A_33, %get3A_469, %get3A_470] : memref<2x200x64xf32, #tpu.memory_space<vmem>> -> memref<1x200x64xf32, #tpu.memory_space<vmem>>
        %get3A_472 = tpu.memref_squeeze %get3A_471 : memref<1x200x64xf32, #tpu.memory_space<vmem>> -> memref<200x64xf32, #tpu.memory_space<vmem>>
        %get3A_473 = arith.index_cast %scan3A_450 : i32 to index
        %get3A_474 = arith.constant 32 : index
        %get3A_475 = tpu.vector_load %get3A_472[%get3A_473, %get3A_474] {strides = array<i32>} : memref<200x64xf32, #tpu.memory_space<vmem>>, vector<1x16xf32>,
        %get3A_476 = vector.shape_cast %get3A_475 : vector<1x16xf32> to vector<16xf32>
        %add3A_477 = arith.addf %add3A_439, %get3A_476 : vector<16xf32>
        %get3A_478 = arith.constant 0 : i32
        %get3A_479 = arith.constant 0 : i32
        %get3A_480 = tpu.memref_slice %arg6[%scan3A_33, %get3A_478, %get3A_479] : memref<2x200x64xf32, #tpu.memory_space<vmem>> -> memref<1x200x64xf32, #tpu.memory_space<vmem>>
        %get3A_481 = tpu.memref_squeeze %get3A_480 : memref<1x200x64xf32, #tpu.memory_space<vmem>> -> memref<200x64xf32, #tpu.memory_space<vmem>>
        %get3A_482 = arith.index_cast %scan3A_450 : i32 to index
        %get3A_483 = arith.constant 48 : index
        %get3A_484 = tpu.vector_load %get3A_481[%get3A_482, %get3A_483] {strides = array<i32>} : memref<200x64xf32, #tpu.memory_space<vmem>>, vector<1x16xf32>,
        %get3A_485 = vector.shape_cast %get3A_484 : vector<1x16xf32> to vector<16xf32>
        %add3A_486 = arith.addf %add3A_448, %get3A_485 : vector<16xf32>
        scf.yield %add3A_459, %add3A_468, %add3A_477, %add3A_486 : vector<16xf32>, vector<16xf32>, vector<16xf32>, vector<16xf32>
      }
      %scan3A_101 = arith.constant 200 : i32
      %swap3A = arith.index_cast %mul3A_41 : i32 to index
      %swap3A_102 = arith.constant 0 : index
      %swap3A_103 = tpu.vector_load %arg7[%swap3A, %swap3A_102] {strides = array<i32>} : memref<128x64xf32, #tpu.memory_space<vmem>>, vector<1x16xf32>,
      %swap3A_104 = vector.shape_cast %swap3A_103 : vector<1x16xf32> to vector<16xf32>
      %swap3A_105 = vector.shape_cast %scan3A_100#0 : vector<16xf32> to vector<1x16xf32>
      tpu.vector_store %arg7[%swap3A, %swap3A_102], %swap3A_105 {strides = array<i32>} : memref<128x64xf32, #tpu.memory_space<vmem>>, vector<1x16xf32>,
      %swap3A_106 = arith.index_cast %mul3A_41 : i32 to index
      %swap3A_107 = arith.constant 16 : index
      %swap3A_108 = tpu.vector_load %arg7[%swap3A_106, %swap3A_107] {strides = array<i32>} : memref<128x64xf32, #tpu.memory_space<vmem>>, vector<1x16xf32>,
      %swap3A_109 = vector.shape_cast %swap3A_108 : vector<1x16xf32> to vector<16xf32>
      %swap3A_110 = vector.shape_cast %scan3A_100#1 : vector<16xf32> to vector<1x16xf32>
      tpu.vector_store %arg7[%swap3A_106, %swap3A_107], %swap3A_110 {strides = array<i32>} : memref<128x64xf32, #tpu.memory_space<vmem>>, vector<1x16xf32>,
      %swap3A_111 = arith.index_cast %mul3A_41 : i32 to index
      %swap3A_112 = arith.constant 32 : index
      %swap3A_113 = tpu.vector_load %arg7[%swap3A_111, %swap3A_112] {strides = array<i32>} : memref<128x64xf32, #tpu.memory_space<vmem>>, vector<1x16xf32>,
      %swap3A_114 = vector.shape_cast %swap3A_113 : vector<1x16xf32> to vector<16xf32>
      %swap3A_115 = vector.shape_cast %scan3A_100#2 : vector<16xf32> to vector<1x16xf32>
      tpu.vector_store %arg7[%swap3A_111, %swap3A_112], %swap3A_115 {strides = array<i32>} : memref<128x64xf32, #tpu.memory_space<vmem>>, vector<1x16xf32>,
      %swap3A_116 = arith.index_cast %mul3A_41 : i32 to index
      %swap3A_117 = arith.constant 48 : index
      %swap3A_118 = tpu.vector_load %arg7[%swap3A_116, %swap3A_117] {strides = array<i32>} : memref<128x64xf32, #tpu.memory_space<vmem>>, vector<1x16xf32>,
      %swap3A_119 = vector.shape_cast %swap3A_118 : vector<1x16xf32> to vector<16xf32>
      %swap3A_120 = vector.shape_cast %scan3A_100#3 : vector<16xf32> to vector<1x16xf32>
      tpu.vector_store %arg7[%swap3A_116, %swap3A_117], %swap3A_120 {strides = array<i32>} : memref<128x64xf32, #tpu.memory_space<vmem>>, vector<1x16xf32>,
      %lt3A = arith.constant 63 : i32
      %lt3A_121 = arith.cmpi slt, %scan3A_39, %lt3A : i32
      %convert_element_type3A = arith.extui %lt3A_121 : i1 to i32
      %cond3A = arith.constant 0 : i32
      %cond3A_122 = arith.cmpi ne, %convert_element_type3A, %cond3A : i32
      scf.if %cond3A_122 {
        %add3A_181 = arith.constant 2 : i32
        %add3A_182 = arith.addi %mul3A_41, %add3A_181 : i32
        %dma_start3A_183 = arith.constant 0 : i32
        %dma_start3A_184 = arith.constant 0 : i32
        %dma_start3A_185 = tpu.memref_slice %arg6[%scan3A_33, %dma_start3A_183, %dma_start3A_184] : memref<2x200x64xf32, #tpu.memory_space<vmem>> -> memref<1x200x64xf32, #tpu.memory_space<vmem>>
        %dma_start3A_186 = tpu.memref_squeeze %dma_start3A_185 : memref<1x200x64xf32, #tpu.memory_space<vmem>> -> memref<200x64xf32, #tpu.memory_space<vmem>>
        %dma_start3A_187 = arith.constant 0 : i32
        %dma_start3A_188 = arith.constant 0 : i32
        %dma_start3A_189 = tpu.memref_slice %dma_start3A_186[%dma_start3A_187, %dma_start3A_188] : memref<200x64xf32, #tpu.memory_space<vmem>> -> memref<104x64xf32, #tpu.memory_space<vmem>>
        %dma_start3A_190 = arith.constant 0 : i32
        %dma_start3A_191 = tpu.memref_slice %arg5[%add3A_182, %dma_start3A_190] : memref<128x200xi32, #tpu.memory_space<vmem>> -> memref<1x104xi32, #tpu.memory_space<vmem>>
        %dma_start3A_192 = tpu.memref_squeeze %dma_start3A_191 : memref<1x104xi32, #tpu.memory_space<vmem>> -> memref<104xi32, #tpu.memory_space<vmem>>
        %dma_start3A_193 = arith.constant 0 : i32
        %dma_start3A_194 = arith.constant 0 : i32
        %dma_start3A_195 = tpu.memref_slice %arg3[%dma_start3A_193, %dma_start3A_194] : memref<1000000x64xf32, #tpu.memory_space<hbm>> -> memref<1000000x64xf32, #tpu.memory_space<hbm>>
        tpu.enqueue_indirect_dma source(%dma_start3A_195 : memref<1000000x64xf32, #tpu.memory_space<hbm>>) target(%dma_start3A_189 : memref<104x64xf32, #tpu.memory_space<vmem>>) offsets(%dma_start3A_192 : memref<104xi32, #tpu.memory_space<vmem>>) semaphore(%arg8 : memref<!tpu.dma_semaphore, #tpu.memory_space<semaphore_mem>>)
        %dma_start3A_196 = arith.constant 0 : i32
        %dma_start3A_197 = arith.constant 0 : i32
        %dma_start3A_198 = tpu.memref_slice %arg6[%scan3A_33, %dma_start3A_196, %dma_start3A_197] : memref<2x200x64xf32, #tpu.memory_space<vmem>> -> memref<1x200x64xf32, #tpu.memory_space<vmem>>
        %dma_start3A_199 = tpu.memref_squeeze %dma_start3A_198 : memref<1x200x64xf32, #tpu.memory_space<vmem>> -> memref<200x64xf32, #tpu.memory_space<vmem>>
        %dma_start3A_200 = arith.constant 104 : i32
        %dma_start3A_201 = arith.constant 0 : i32
        %dma_start3A_202 = tpu.memref_slice %dma_start3A_199[%dma_start3A_200, %dma_start3A_201] : memref<200x64xf32, #tpu.memory_space<vmem>> -> memref<96x64xf32, #tpu.memory_space<vmem>>
        %dma_start3A_203 = arith.constant 104 : i32
        %dma_start3A_204 = tpu.memref_slice %arg5[%add3A_182, %dma_start3A_203] : memref<128x200xi32, #tpu.memory_space<vmem>> -> memref<1x96xi32, #tpu.memory_space<vmem>>
        %dma_start3A_205 = tpu.memref_squeeze %dma_start3A_204 : memref<1x96xi32, #tpu.memory_space<vmem>> -> memref<96xi32, #tpu.memory_space<vmem>>
        %dma_start3A_206 = arith.constant 0 : i32
        %dma_start3A_207 = arith.constant 0 : i32
        %dma_start3A_208 = tpu.memref_slice %arg3[%dma_start3A_206, %dma_start3A_207] : memref<1000000x64xf32, #tpu.memory_space<hbm>> -> memref<1000000x64xf32, #tpu.memory_space<hbm>>
        tpu.enqueue_indirect_dma source(%dma_start3A_208 : memref<1000000x64xf32, #tpu.memory_space<hbm>>) target(%dma_start3A_202 : memref<96x64xf32, #tpu.memory_space<vmem>>) offsets(%dma_start3A_205 : memref<96xi32, #tpu.memory_space<vmem>>) semaphore(%arg8 : memref<!tpu.dma_semaphore, #tpu.memory_space<semaphore_mem>>)
      } else {
      }
      %add3A_123 = arith.constant 1 : i32
      %add3A_124 = arith.addi %mul3A_41, %add3A_123 : i32
      %dma_wait3A_125 = arith.constant 0 : i32
      %dma_wait3A_126 = arith.constant 0 : i32
      %dma_wait3A_127 = tpu.memref_slice %arg6[%scan3A_32, %dma_wait3A_125, %dma_wait3A_126] : memref<2x200x64xf32, #tpu.memory_space<vmem>> -> memref<1x200x64xf32, #tpu.memory_space<vmem>>
      %dma_wait3A_128 = tpu.memref_squeeze %dma_wait3A_127 : memref<1x200x64xf32, #tpu.memory_space<vmem>> -> memref<200x64xf32, #tpu.memory_space<vmem>>
      %dma_wait3A_129 = arith.constant 0 : i32
      %dma_wait3A_130 = arith.constant 0 : i32
      %dma_wait3A_131 = tpu.memref_slice %dma_wait3A_128[%dma_wait3A_129, %dma_wait3A_130] : memref<200x64xf32, #tpu.memory_space<vmem>> -> memref<104x64xf32, #tpu.memory_space<vmem>>
      %dma_wait3A_132 = arith.constant 0 : i32
      %dma_wait3A_133 = tpu.memref_slice %arg5[%add3A_124, %dma_wait3A_132] : memref<128x200xi32, #tpu.memory_space<vmem>> -> memref<1x104xi32, #tpu.memory_space<vmem>>
      %dma_wait3A_134 = tpu.memref_squeeze %dma_wait3A_133 : memref<1x104xi32, #tpu.memory_space<vmem>> -> memref<104xi32, #tpu.memory_space<vmem>>
      %dma_wait3A_135 = arith.constant 0 : i32
      %dma_wait3A_136 = arith.constant 0 : i32
      %dma_wait3A_137 = tpu.memref_slice %arg3[%dma_wait3A_135, %dma_wait3A_136] : memref<1000000x64xf32, #tpu.memory_space<hbm>> -> memref<1000000x64xf32, #tpu.memory_space<hbm>>
      tpu.wait_indirect_dma semaphore(%arg9 : memref<!tpu.dma_semaphore, #tpu.memory_space<semaphore_mem>>) src(%dma_wait3A_137 : memref<1000000x64xf32, #tpu.memory_space<hbm>>) dst(%dma_wait3A_131 : memref<104x64xf32, #tpu.memory_space<vmem>>)
      %dma_wait3A_138 = arith.constant 0 : i32
      %dma_wait3A_139 = arith.constant 0 : i32
      %dma_wait3A_140 = tpu.memref_slice %arg6[%scan3A_32, %dma_wait3A_138, %dma_wait3A_139] : memref<2x200x64xf32, #tpu.memory_space<vmem>> -> memref<1x200x64xf32, #tpu.memory_space<vmem>>
      %dma_wait3A_141 = tpu.memref_squeeze %dma_wait3A_140 : memref<1x200x64xf32, #tpu.memory_space<vmem>> -> memref<200x64xf32, #tpu.memory_space<vmem>>
      %dma_wait3A_142 = arith.constant 104 : i32
      %dma_wait3A_143 = arith.constant 0 : i32
      %dma_wait3A_144 = tpu.memref_slice %dma_wait3A_141[%dma_wait3A_142, %dma_wait3A_143] : memref<200x64xf32, #tpu.memory_space<vmem>> -> memref<96x64xf32, #tpu.memory_space<vmem>>
      %dma_wait3A_145 = arith.constant 104 : i32
      %dma_wait3A_146 = tpu.memref_slice %arg5[%add3A_124, %dma_wait3A_145] : memref<128x200xi32, #tpu.memory_space<vmem>> -> memref<1x96xi32, #tpu.memory_space<vmem>>
      %dma_wait3A_147 = tpu.memref_squeeze %dma_wait3A_146 : memref<1x96xi32, #tpu.memory_space<vmem>> -> memref<96xi32, #tpu.memory_space<vmem>>
      %dma_wait3A_148 = arith.constant 0 : i32
      %dma_wait3A_149 = arith.constant 0 : i32
      %dma_wait3A_150 = tpu.memref_slice %arg3[%dma_wait3A_148, %dma_wait3A_149] : memref<1000000x64xf32, #tpu.memory_space<hbm>> -> memref<1000000x64xf32, #tpu.memory_space<hbm>>
      tpu.wait_indirect_dma semaphore(%arg9 : memref<!tpu.dma_semaphore, #tpu.memory_space<semaphore_mem>>) src(%dma_wait3A_150 : memref<1000000x64xf32, #tpu.memory_space<hbm>>) dst(%dma_wait3A_144 : memref<96x64xf32, #tpu.memory_space<vmem>>)
      %add3A_151 = arith.constant 1 : i32
      %add3A_152 = arith.addi %mul3A_41, %add3A_151 : i32
      %broadcast_in_dim3A_153 = arith.constant 0.000000e+00 : f32
      %broadcast_in_dim3A_154 = vector.broadcast %broadcast_in_dim3A_153 : f32 to vector<16xf32>
      %scan3A_155 = arith.constant 0 : i32
      %scan3A_156 = arith.constant 200 : i32
      %scan3A_157 = arith.addi %scan3A_155, %scan3A_156 : i32
      %scan3A_158 = arith.constant 8 : i32
      %scan3A_159:4 = scf.for %scan3A_181 = %scan3A_155 to %scan3A_157 step %scan3A_158 iter_args(%scan3A_182 = %broadcast_in_dim3A_154, %scan3A_183 = %broadcast_in_dim3A_154, %scan3A_184 = %broadcast_in_dim3A_154, %scan3A_185 = %broadcast_in_dim3A_154) -> (vector<16xf32>, vector<16xf32>, vector<16xf32>, vector<16xf32>)  : i32 {
        %get3A = arith.constant 0 : i32
        %get3A_186 = arith.constant 0 : i32
        %get3A_187 = tpu.memref_slice %arg6[%scan3A_32, %get3A, %get3A_186] : memref<2x200x64xf32, #tpu.memory_space<vmem>> -> memref<1x200x64xf32, #tpu.memory_space<vmem>>
        %get3A_188 = tpu.memref_squeeze %get3A_187 : memref<1x200x64xf32, #tpu.memory_space<vmem>> -> memref<200x64xf32, #tpu.memory_space<vmem>>
        %get3A_189 = arith.index_cast %scan3A_181 : i32 to index
        %get3A_190 = arith.constant 0 : index
        %get3A_191 = tpu.vector_load %get3A_188[%get3A_189, %get3A_190] {strides = array<i32>} : memref<200x64xf32, #tpu.memory_space<vmem>>, vector<1x16xf32>,
        %get3A_192 = vector.shape_cast %get3A_191 : vector<1x16xf32> to vector<16xf32>
        %add3A_193 = arith.addf %scan3A_182, %get3A_192 : vector<16xf32>
        %get3A_194 = arith.constant 0 : i32
        %get3A_195 = arith.constant 0 : i32
        %get3A_196 = tpu.memref_slice %arg6[%scan3A_32, %get3A_194, %get3A_195] : memref<2x200x64xf32, #tpu.memory_space<vmem>> -> memref<1x200x64xf32, #tpu.memory_space<vmem>>
        %get3A_197 = tpu.memref_squeeze %get3A_196 : memref<1x200x64xf32, #tpu.memory_space<vmem>> -> memref<200x64xf32, #tpu.memory_space<vmem>>
        %get3A_198 = arith.index_cast %scan3A_181 : i32 to index
        %get3A_199 = arith.constant 16 : index
        %get3A_200 = tpu.vector_load %get3A_197[%get3A_198, %get3A_199] {strides = array<i32>} : memref<200x64xf32, #tpu.memory_space<vmem>>, vector<1x16xf32>,
        %get3A_201 = vector.shape_cast %get3A_200 : vector<1x16xf32> to vector<16xf32>
        %add3A_202 = arith.addf %scan3A_183, %get3A_201 : vector<16xf32>
        %get3A_203 = arith.constant 0 : i32
        %get3A_204 = arith.constant 0 : i32
        %get3A_205 = tpu.memref_slice %arg6[%scan3A_32, %get3A_203, %get3A_204] : memref<2x200x64xf32, #tpu.memory_space<vmem>> -> memref<1x200x64xf32, #tpu.memory_space<vmem>>
        %get3A_206 = tpu.memref_squeeze %get3A_205 : memref<1x200x64xf32, #tpu.memory_space<vmem>> -> memref<200x64xf32, #tpu.memory_space<vmem>>
        %get3A_207 = arith.index_cast %scan3A_181 : i32 to index
        %get3A_208 = arith.constant 32 : index
        %get3A_209 = tpu.vector_load %get3A_206[%get3A_207, %get3A_208] {strides = array<i32>} : memref<200x64xf32, #tpu.memory_space<vmem>>, vector<1x16xf32>,
        %get3A_210 = vector.shape_cast %get3A_209 : vector<1x16xf32> to vector<16xf32>
        %add3A_211 = arith.addf %scan3A_184, %get3A_210 : vector<16xf32>
        %get3A_212 = arith.constant 0 : i32
        %get3A_213 = arith.constant 0 : i32
        %get3A_214 = tpu.memref_slice %arg6[%scan3A_32, %get3A_212, %get3A_213] : memref<2x200x64xf32, #tpu.memory_space<vmem>> -> memref<1x200x64xf32, #tpu.memory_space<vmem>>
        %get3A_215 = tpu.memref_squeeze %get3A_214 : memref<1x200x64xf32, #tpu.memory_space<vmem>> -> memref<200x64xf32, #tpu.memory_space<vmem>>
        %get3A_216 = arith.index_cast %scan3A_181 : i32 to index
        %get3A_217 = arith.constant 48 : index
        %get3A_218 = tpu.vector_load %get3A_215[%get3A_216, %get3A_217] {strides = array<i32>} : memref<200x64xf32, #tpu.memory_space<vmem>>, vector<1x16xf32>,
        %get3A_219 = vector.shape_cast %get3A_218 : vector<1x16xf32> to vector<16xf32>
        %add3A_220 = arith.addf %scan3A_185, %get3A_219 : vector<16xf32>
        %scan3A_221 = arith.constant 1 : i32
        %scan3A_222 = arith.addi %scan3A_181, %scan3A_221 : i32
        %get3A_223 = arith.constant 0 : i32
        %get3A_224 = arith.constant 0 : i32
        %get3A_225 = tpu.memref_slice %arg6[%scan3A_32, %get3A_223, %get3A_224] : memref<2x200x64xf32, #tpu.memory_space<vmem>> -> memref<1x200x64xf32, #tpu.memory_space<vmem>>
        %get3A_226 = tpu.memref_squeeze %get3A_225 : memref<1x200x64xf32, #tpu.memory_space<vmem>> -> memref<200x64xf32, #tpu.memory_space<vmem>>
        %get3A_227 = arith.index_cast %scan3A_222 : i32 to index
        %get3A_228 = arith.constant 0 : index
        %get3A_229 = tpu.vector_load %get3A_226[%get3A_227, %get3A_228] {strides = array<i32>} : memref<200x64xf32, #tpu.memory_space<vmem>>, vector<1x16xf32>,
        %get3A_230 = vector.shape_cast %get3A_229 : vector<1x16xf32> to vector<16xf32>
        %add3A_231 = arith.addf %add3A_193, %get3A_230 : vector<16xf32>
        %get3A_232 = arith.constant 0 : i32
        %get3A_233 = arith.constant 0 : i32
        %get3A_234 = tpu.memref_slice %arg6[%scan3A_32, %get3A_232, %get3A_233] : memref<2x200x64xf32, #tpu.memory_space<vmem>> -> memref<1x200x64xf32, #tpu.memory_space<vmem>>
        %get3A_235 = tpu.memref_squeeze %get3A_234 : memref<1x200x64xf32, #tpu.memory_space<vmem>> -> memref<200x64xf32, #tpu.memory_space<vmem>>
        %get3A_236 = arith.index_cast %scan3A_222 : i32 to index
        %get3A_237 = arith.constant 16 : index
        %get3A_238 = tpu.vector_load %get3A_235[%get3A_236, %get3A_237] {strides = array<i32>} : memref<200x64xf32, #tpu.memory_space<vmem>>, vector<1x16xf32>,
        %get3A_239 = vector.shape_cast %get3A_238 : vector<1x16xf32> to vector<16xf32>
        %add3A_240 = arith.addf %add3A_202, %get3A_239 : vector<16xf32>
        %get3A_241 = arith.constant 0 : i32
        %get3A_242 = arith.constant 0 : i32
        %get3A_243 = tpu.memref_slice %arg6[%scan3A_32, %get3A_241, %get3A_242] : memref<2x200x64xf32, #tpu.memory_space<vmem>> -> memref<1x200x64xf32, #tpu.memory_space<vmem>>
        %get3A_244 = tpu.memref_squeeze %get3A_243 : memref<1x200x64xf32, #tpu.memory_space<vmem>> -> memref<200x64xf32, #tpu.memory_space<vmem>>
        %get3A_245 = arith.index_cast %scan3A_222 : i32 to index
        %get3A_246 = arith.constant 32 : index
        %get3A_247 = tpu.vector_load %get3A_244[%get3A_245, %get3A_246] {strides = array<i32>} : memref<200x64xf32, #tpu.memory_space<vmem>>, vector<1x16xf32>,
        %get3A_248 = vector.shape_cast %get3A_247 : vector<1x16xf32> to vector<16xf32>
        %add3A_249 = arith.addf %add3A_211, %get3A_248 : vector<16xf32>
        %get3A_250 = arith.constant 0 : i32
        %get3A_251 = arith.constant 0 : i32
        %get3A_252 = tpu.memref_slice %arg6[%scan3A_32, %get3A_250, %get3A_251] : memref<2x200x64xf32, #tpu.memory_space<vmem>> -> memref<1x200x64xf32, #tpu.memory_space<vmem>>
        %get3A_253 = tpu.memref_squeeze %get3A_252 : memref<1x200x64xf32, #tpu.memory_space<vmem>> -> memref<200x64xf32, #tpu.memory_space<vmem>>
        %get3A_254 = arith.index_cast %scan3A_222 : i32 to index
        %get3A_255 = arith.constant 48 : index
        %get3A_256 = tpu.vector_load %get3A_253[%get3A_254, %get3A_255] {strides = array<i32>} : memref<200x64xf32, #tpu.memory_space<vmem>>, vector<1x16xf32>,
        %get3A_257 = vector.shape_cast %get3A_256 : vector<1x16xf32> to vector<16xf32>
        %add3A_258 = arith.addf %add3A_220, %get3A_257 : vector<16xf32>
        %scan3A_259 = arith.constant 2 : i32
        %scan3A_260 = arith.addi %scan3A_181, %scan3A_259 : i32
        %get3A_261 = arith.constant 0 : i32
        %get3A_262 = arith.constant 0 : i32
        %get3A_263 = tpu.memref_slice %arg6[%scan3A_32, %get3A_261, %get3A_262] : memref<2x200x64xf32, #tpu.memory_space<vmem>> -> memref<1x200x64xf32, #tpu.memory_space<vmem>>
        %get3A_264 = tpu.memref_squeeze %get3A_263 : memref<1x200x64xf32, #tpu.memory_space<vmem>> -> memref<200x64xf32, #tpu.memory_space<vmem>>
        %get3A_265 = arith.index_cast %scan3A_260 : i32 to index
        %get3A_266 = arith.constant 0 : index
        %get3A_267 = tpu.vector_load %get3A_264[%get3A_265, %get3A_266] {strides = array<i32>} : memref<200x64xf32, #tpu.memory_space<vmem>>, vector<1x16xf32>,
        %get3A_268 = vector.shape_cast %get3A_267 : vector<1x16xf32> to vector<16xf32>
        %add3A_269 = arith.addf %add3A_231, %get3A_268 : vector<16xf32>
        %get3A_270 = arith.constant 0 : i32
        %get3A_271 = arith.constant 0 : i32
        %get3A_272 = tpu.memref_slice %arg6[%scan3A_32, %get3A_270, %get3A_271] : memref<2x200x64xf32, #tpu.memory_space<vmem>> -> memref<1x200x64xf32, #tpu.memory_space<vmem>>
        %get3A_273 = tpu.memref_squeeze %get3A_272 : memref<1x200x64xf32, #tpu.memory_space<vmem>> -> memref<200x64xf32, #tpu.memory_space<vmem>>
        %get3A_274 = arith.index_cast %scan3A_260 : i32 to index
        %get3A_275 = arith.constant 16 : index
        %get3A_276 = tpu.vector_load %get3A_273[%get3A_274, %get3A_275] {strides = array<i32>} : memref<200x64xf32, #tpu.memory_space<vmem>>, vector<1x16xf32>,
        %get3A_277 = vector.shape_cast %get3A_276 : vector<1x16xf32> to vector<16xf32>
        %add3A_278 = arith.addf %add3A_240, %get3A_277 : vector<16xf32>
        %get3A_279 = arith.constant 0 : i32
        %get3A_280 = arith.constant 0 : i32
        %get3A_281 = tpu.memref_slice %arg6[%scan3A_32, %get3A_279, %get3A_280] : memref<2x200x64xf32, #tpu.memory_space<vmem>> -> memref<1x200x64xf32, #tpu.memory_space<vmem>>
        %get3A_282 = tpu.memref_squeeze %get3A_281 : memref<1x200x64xf32, #tpu.memory_space<vmem>> -> memref<200x64xf32, #tpu.memory_space<vmem>>
        %get3A_283 = arith.index_cast %scan3A_260 : i32 to index
        %get3A_284 = arith.constant 32 : index
        %get3A_285 = tpu.vector_load %get3A_282[%get3A_283, %get3A_284] {strides = array<i32>} : memref<200x64xf32, #tpu.memory_space<vmem>>, vector<1x16xf32>,
        %get3A_286 = vector.shape_cast %get3A_285 : vector<1x16xf32> to vector<16xf32>
        %add3A_287 = arith.addf %add3A_249, %get3A_286 : vector<16xf32>
        %get3A_288 = arith.constant 0 : i32
        %get3A_289 = arith.constant 0 : i32
        %get3A_290 = tpu.memref_slice %arg6[%scan3A_32, %get3A_288, %get3A_289] : memref<2x200x64xf32, #tpu.memory_space<vmem>> -> memref<1x200x64xf32, #tpu.memory_space<vmem>>
        %get3A_291 = tpu.memref_squeeze %get3A_290 : memref<1x200x64xf32, #tpu.memory_space<vmem>> -> memref<200x64xf32, #tpu.memory_space<vmem>>
        %get3A_292 = arith.index_cast %scan3A_260 : i32 to index
        %get3A_293 = arith.constant 48 : index
        %get3A_294 = tpu.vector_load %get3A_291[%get3A_292, %get3A_293] {strides = array<i32>} : memref<200x64xf32, #tpu.memory_space<vmem>>, vector<1x16xf32>,
        %get3A_295 = vector.shape_cast %get3A_294 : vector<1x16xf32> to vector<16xf32>
        %add3A_296 = arith.addf %add3A_258, %get3A_295 : vector<16xf32>
        %scan3A_297 = arith.constant 3 : i32
        %scan3A_298 = arith.addi %scan3A_181, %scan3A_297 : i32
        %get3A_299 = arith.constant 0 : i32
        %get3A_300 = arith.constant 0 : i32
        %get3A_301 = tpu.memref_slice %arg6[%scan3A_32, %get3A_299, %get3A_300] : memref<2x200x64xf32, #tpu.memory_space<vmem>> -> memref<1x200x64xf32, #tpu.memory_space<vmem>>
        %get3A_302 = tpu.memref_squeeze %get3A_301 : memref<1x200x64xf32, #tpu.memory_space<vmem>> -> memref<200x64xf32, #tpu.memory_space<vmem>>
        %get3A_303 = arith.index_cast %scan3A_298 : i32 to index
        %get3A_304 = arith.constant 0 : index
        %get3A_305 = tpu.vector_load %get3A_302[%get3A_303, %get3A_304] {strides = array<i32>} : memref<200x64xf32, #tpu.memory_space<vmem>>, vector<1x16xf32>,
        %get3A_306 = vector.shape_cast %get3A_305 : vector<1x16xf32> to vector<16xf32>
        %add3A_307 = arith.addf %add3A_269, %get3A_306 : vector<16xf32>
        %get3A_308 = arith.constant 0 : i32
        %get3A_309 = arith.constant 0 : i32
        %get3A_310 = tpu.memref_slice %arg6[%scan3A_32, %get3A_308, %get3A_309] : memref<2x200x64xf32, #tpu.memory_space<vmem>> -> memref<1x200x64xf32, #tpu.memory_space<vmem>>
        %get3A_311 = tpu.memref_squeeze %get3A_310 : memref<1x200x64xf32, #tpu.memory_space<vmem>> -> memref<200x64xf32, #tpu.memory_space<vmem>>
        %get3A_312 = arith.index_cast %scan3A_298 : i32 to index
        %get3A_313 = arith.constant 16 : index
        %get3A_314 = tpu.vector_load %get3A_311[%get3A_312, %get3A_313] {strides = array<i32>} : memref<200x64xf32, #tpu.memory_space<vmem>>, vector<1x16xf32>,
        %get3A_315 = vector.shape_cast %get3A_314 : vector<1x16xf32> to vector<16xf32>
        %add3A_316 = arith.addf %add3A_278, %get3A_315 : vector<16xf32>
        %get3A_317 = arith.constant 0 : i32
        %get3A_318 = arith.constant 0 : i32
        %get3A_319 = tpu.memref_slice %arg6[%scan3A_32, %get3A_317, %get3A_318] : memref<2x200x64xf32, #tpu.memory_space<vmem>> -> memref<1x200x64xf32, #tpu.memory_space<vmem>>
        %get3A_320 = tpu.memref_squeeze %get3A_319 : memref<1x200x64xf32, #tpu.memory_space<vmem>> -> memref<200x64xf32, #tpu.memory_space<vmem>>
        %get3A_321 = arith.index_cast %scan3A_298 : i32 to index
        %get3A_322 = arith.constant 32 : index
        %get3A_323 = tpu.vector_load %get3A_320[%get3A_321, %get3A_322] {strides = array<i32>} : memref<200x64xf32, #tpu.memory_space<vmem>>, vector<1x16xf32>,
        %get3A_324 = vector.shape_cast %get3A_323 : vector<1x16xf32> to vector<16xf32>
        %add3A_325 = arith.addf %add3A_287, %get3A_324 : vector<16xf32>
        %get3A_326 = arith.constant 0 : i32
        %get3A_327 = arith.constant 0 : i32
        %get3A_328 = tpu.memref_slice %arg6[%scan3A_32, %get3A_326, %get3A_327] : memref<2x200x64xf32, #tpu.memory_space<vmem>> -> memref<1x200x64xf32, #tpu.memory_space<vmem>>
        %get3A_329 = tpu.memref_squeeze %get3A_328 : memref<1x200x64xf32, #tpu.memory_space<vmem>> -> memref<200x64xf32, #tpu.memory_space<vmem>>
        %get3A_330 = arith.index_cast %scan3A_298 : i32 to index
        %get3A_331 = arith.constant 48 : index
        %get3A_332 = tpu.vector_load %get3A_329[%get3A_330, %get3A_331] {strides = array<i32>} : memref<200x64xf32, #tpu.memory_space<vmem>>, vector<1x16xf32>,
        %get3A_333 = vector.shape_cast %get3A_332 : vector<1x16xf32> to vector<16xf32>
        %add3A_334 = arith.addf %add3A_296, %get3A_333 : vector<16xf32>
        %scan3A_335 = arith.constant 4 : i32
        %scan3A_336 = arith.addi %scan3A_181, %scan3A_335 : i32
        %get3A_337 = arith.constant 0 : i32
        %get3A_338 = arith.constant 0 : i32
        %get3A_339 = tpu.memref_slice %arg6[%scan3A_32, %get3A_337, %get3A_338] : memref<2x200x64xf32, #tpu.memory_space<vmem>> -> memref<1x200x64xf32, #tpu.memory_space<vmem>>
        %get3A_340 = tpu.memref_squeeze %get3A_339 : memref<1x200x64xf32, #tpu.memory_space<vmem>> -> memref<200x64xf32, #tpu.memory_space<vmem>>
        %get3A_341 = arith.index_cast %scan3A_336 : i32 to index
        %get3A_342 = arith.constant 0 : index
        %get3A_343 = tpu.vector_load %get3A_340[%get3A_341, %get3A_342] {strides = array<i32>} : memref<200x64xf32, #tpu.memory_space<vmem>>, vector<1x16xf32>,
        %get3A_344 = vector.shape_cast %get3A_343 : vector<1x16xf32> to vector<16xf32>
        %add3A_345 = arith.addf %add3A_307, %get3A_344 : vector<16xf32>
        %get3A_346 = arith.constant 0 : i32
        %get3A_347 = arith.constant 0 : i32
        %get3A_348 = tpu.memref_slice %arg6[%scan3A_32, %get3A_346, %get3A_347] : memref<2x200x64xf32, #tpu.memory_space<vmem>> -> memref<1x200x64xf32, #tpu.memory_space<vmem>>
        %get3A_349 = tpu.memref_squeeze %get3A_348 : memref<1x200x64xf32, #tpu.memory_space<vmem>> -> memref<200x64xf32, #tpu.memory_space<vmem>>
        %get3A_350 = arith.index_cast %scan3A_336 : i32 to index
        %get3A_351 = arith.constant 16 : index
        %get3A_352 = tpu.vector_load %get3A_349[%get3A_350, %get3A_351] {strides = array<i32>} : memref<200x64xf32, #tpu.memory_space<vmem>>, vector<1x16xf32>,
        %get3A_353 = vector.shape_cast %get3A_352 : vector<1x16xf32> to vector<16xf32>
        %add3A_354 = arith.addf %add3A_316, %get3A_353 : vector<16xf32>
        %get3A_355 = arith.constant 0 : i32
        %get3A_356 = arith.constant 0 : i32
        %get3A_357 = tpu.memref_slice %arg6[%scan3A_32, %get3A_355, %get3A_356] : memref<2x200x64xf32, #tpu.memory_space<vmem>> -> memref<1x200x64xf32, #tpu.memory_space<vmem>>
        %get3A_358 = tpu.memref_squeeze %get3A_357 : memref<1x200x64xf32, #tpu.memory_space<vmem>> -> memref<200x64xf32, #tpu.memory_space<vmem>>
        %get3A_359 = arith.index_cast %scan3A_336 : i32 to index
        %get3A_360 = arith.constant 32 : index
        %get3A_361 = tpu.vector_load %get3A_358[%get3A_359, %get3A_360] {strides = array<i32>} : memref<200x64xf32, #tpu.memory_space<vmem>>, vector<1x16xf32>,
        %get3A_362 = vector.shape_cast %get3A_361 : vector<1x16xf32> to vector<16xf32>
        %add3A_363 = arith.addf %add3A_325, %get3A_362 : vector<16xf32>
        %get3A_364 = arith.constant 0 : i32
        %get3A_365 = arith.constant 0 : i32
        %get3A_366 = tpu.memref_slice %arg6[%scan3A_32, %get3A_364, %get3A_365] : memref<2x200x64xf32, #tpu.memory_space<vmem>> -> memref<1x200x64xf32, #tpu.memory_space<vmem>>
        %get3A_367 = tpu.memref_squeeze %get3A_366 : memref<1x200x64xf32, #tpu.memory_space<vmem>> -> memref<200x64xf32, #tpu.memory_space<vmem>>
        %get3A_368 = arith.index_cast %scan3A_336 : i32 to index
        %get3A_369 = arith.constant 48 : index
        %get3A_370 = tpu.vector_load %get3A_367[%get3A_368, %get3A_369] {strides = array<i32>} : memref<200x64xf32, #tpu.memory_space<vmem>>, vector<1x16xf32>,
        %get3A_371 = vector.shape_cast %get3A_370 : vector<1x16xf32> to vector<16xf32>
        %add3A_372 = arith.addf %add3A_334, %get3A_371 : vector<16xf32>
        %scan3A_373 = arith.constant 5 : i32
        %scan3A_374 = arith.addi %scan3A_181, %scan3A_373 : i32
        %get3A_375 = arith.constant 0 : i32
        %get3A_376 = arith.constant 0 : i32
        %get3A_377 = tpu.memref_slice %arg6[%scan3A_32, %get3A_375, %get3A_376] : memref<2x200x64xf32, #tpu.memory_space<vmem>> -> memref<1x200x64xf32, #tpu.memory_space<vmem>>
        %get3A_378 = tpu.memref_squeeze %get3A_377 : memref<1x200x64xf32, #tpu.memory_space<vmem>> -> memref<200x64xf32, #tpu.memory_space<vmem>>
        %get3A_379 = arith.index_cast %scan3A_374 : i32 to index
        %get3A_380 = arith.constant 0 : index
        %get3A_381 = tpu.vector_load %get3A_378[%get3A_379, %get3A_380] {strides = array<i32>} : memref<200x64xf32, #tpu.memory_space<vmem>>, vector<1x16xf32>,
        %get3A_382 = vector.shape_cast %get3A_381 : vector<1x16xf32> to vector<16xf32>
        %add3A_383 = arith.addf %add3A_345, %get3A_382 : vector<16xf32>
        %get3A_384 = arith.constant 0 : i32
        %get3A_385 = arith.constant 0 : i32
        %get3A_386 = tpu.memref_slice %arg6[%scan3A_32, %get3A_384, %get3A_385] : memref<2x200x64xf32, #tpu.memory_space<vmem>> -> memref<1x200x64xf32, #tpu.memory_space<vmem>>
        %get3A_387 = tpu.memref_squeeze %get3A_386 : memref<1x200x64xf32, #tpu.memory_space<vmem>> -> memref<200x64xf32, #tpu.memory_space<vmem>>
        %get3A_388 = arith.index_cast %scan3A_374 : i32 to index
        %get3A_389 = arith.constant 16 : index
        %get3A_390 = tpu.vector_load %get3A_387[%get3A_388, %get3A_389] {strides = array<i32>} : memref<200x64xf32, #tpu.memory_space<vmem>>, vector<1x16xf32>,
        %get3A_391 = vector.shape_cast %get3A_390 : vector<1x16xf32> to vector<16xf32>
        %add3A_392 = arith.addf %add3A_354, %get3A_391 : vector<16xf32>
        %get3A_393 = arith.constant 0 : i32
        %get3A_394 = arith.constant 0 : i32
        %get3A_395 = tpu.memref_slice %arg6[%scan3A_32, %get3A_393, %get3A_394] : memref<2x200x64xf32, #tpu.memory_space<vmem>> -> memref<1x200x64xf32, #tpu.memory_space<vmem>>
        %get3A_396 = tpu.memref_squeeze %get3A_395 : memref<1x200x64xf32, #tpu.memory_space<vmem>> -> memref<200x64xf32, #tpu.memory_space<vmem>>
        %get3A_397 = arith.index_cast %scan3A_374 : i32 to index
        %get3A_398 = arith.constant 32 : index
        %get3A_399 = tpu.vector_load %get3A_396[%get3A_397, %get3A_398] {strides = array<i32>} : memref<200x64xf32, #tpu.memory_space<vmem>>, vector<1x16xf32>,
        %get3A_400 = vector.shape_cast %get3A_399 : vector<1x16xf32> to vector<16xf32>
        %add3A_401 = arith.addf %add3A_363, %get3A_400 : vector<16xf32>
        %get3A_402 = arith.constant 0 : i32
        %get3A_403 = arith.constant 0 : i32
        %get3A_404 = tpu.memref_slice %arg6[%scan3A_32, %get3A_402, %get3A_403] : memref<2x200x64xf32, #tpu.memory_space<vmem>> -> memref<1x200x64xf32, #tpu.memory_space<vmem>>
        %get3A_405 = tpu.memref_squeeze %get3A_404 : memref<1x200x64xf32, #tpu.memory_space<vmem>> -> memref<200x64xf32, #tpu.memory_space<vmem>>
        %get3A_406 = arith.index_cast %scan3A_374 : i32 to index
        %get3A_407 = arith.constant 48 : index
        %get3A_408 = tpu.vector_load %get3A_405[%get3A_406, %get3A_407] {strides = array<i32>} : memref<200x64xf32, #tpu.memory_space<vmem>>, vector<1x16xf32>,
        %get3A_409 = vector.shape_cast %get3A_408 : vector<1x16xf32> to vector<16xf32>
        %add3A_410 = arith.addf %add3A_372, %get3A_409 : vector<16xf32>
        %scan3A_411 = arith.constant 6 : i32
        %scan3A_412 = arith.addi %scan3A_181, %scan3A_411 : i32
        %get3A_413 = arith.constant 0 : i32
        %get3A_414 = arith.constant 0 : i32
        %get3A_415 = tpu.memref_slice %arg6[%scan3A_32, %get3A_413, %get3A_414] : memref<2x200x64xf32, #tpu.memory_space<vmem>> -> memref<1x200x64xf32, #tpu.memory_space<vmem>>
        %get3A_416 = tpu.memref_squeeze %get3A_415 : memref<1x200x64xf32, #tpu.memory_space<vmem>> -> memref<200x64xf32, #tpu.memory_space<vmem>>
        %get3A_417 = arith.index_cast %scan3A_412 : i32 to index
        %get3A_418 = arith.constant 0 : index
        %get3A_419 = tpu.vector_load %get3A_416[%get3A_417, %get3A_418] {strides = array<i32>} : memref<200x64xf32, #tpu.memory_space<vmem>>, vector<1x16xf32>,
        %get3A_420 = vector.shape_cast %get3A_419 : vector<1x16xf32> to vector<16xf32>
        %add3A_421 = arith.addf %add3A_383, %get3A_420 : vector<16xf32>
        %get3A_422 = arith.constant 0 : i32
        %get3A_423 = arith.constant 0 : i32
        %get3A_424 = tpu.memref_slice %arg6[%scan3A_32, %get3A_422, %get3A_423] : memref<2x200x64xf32, #tpu.memory_space<vmem>> -> memref<1x200x64xf32, #tpu.memory_space<vmem>>
        %get3A_425 = tpu.memref_squeeze %get3A_424 : memref<1x200x64xf32, #tpu.memory_space<vmem>> -> memref<200x64xf32, #tpu.memory_space<vmem>>
        %get3A_426 = arith.index_cast %scan3A_412 : i32 to index
        %get3A_427 = arith.constant 16 : index
        %get3A_428 = tpu.vector_load %get3A_425[%get3A_426, %get3A_427] {strides = array<i32>} : memref<200x64xf32, #tpu.memory_space<vmem>>, vector<1x16xf32>,
        %get3A_429 = vector.shape_cast %get3A_428 : vector<1x16xf32> to vector<16xf32>
        %add3A_430 = arith.addf %add3A_392, %get3A_429 : vector<16xf32>
        %get3A_431 = arith.constant 0 : i32
        %get3A_432 = arith.constant 0 : i32
        %get3A_433 = tpu.memref_slice %arg6[%scan3A_32, %get3A_431, %get3A_432] : memref<2x200x64xf32, #tpu.memory_space<vmem>> -> memref<1x200x64xf32, #tpu.memory_space<vmem>>
        %get3A_434 = tpu.memref_squeeze %get3A_433 : memref<1x200x64xf32, #tpu.memory_space<vmem>> -> memref<200x64xf32, #tpu.memory_space<vmem>>
        %get3A_435 = arith.index_cast %scan3A_412 : i32 to index
        %get3A_436 = arith.constant 32 : index
        %get3A_437 = tpu.vector_load %get3A_434[%get3A_435, %get3A_436] {strides = array<i32>} : memref<200x64xf32, #tpu.memory_space<vmem>>, vector<1x16xf32>,
        %get3A_438 = vector.shape_cast %get3A_437 : vector<1x16xf32> to vector<16xf32>
        %add3A_439 = arith.addf %add3A_401, %get3A_438 : vector<16xf32>
        %get3A_440 = arith.constant 0 : i32
        %get3A_441 = arith.constant 0 : i32
        %get3A_442 = tpu.memref_slice %arg6[%scan3A_32, %get3A_440, %get3A_441] : memref<2x200x64xf32, #tpu.memory_space<vmem>> -> memref<1x200x64xf32, #tpu.memory_space<vmem>>
        %get3A_443 = tpu.memref_squeeze %get3A_442 : memref<1x200x64xf32, #tpu.memory_space<vmem>> -> memref<200x64xf32, #tpu.memory_space<vmem>>
        %get3A_444 = arith.index_cast %scan3A_412 : i32 to index
        %get3A_445 = arith.constant 48 : index
        %get3A_446 = tpu.vector_load %get3A_443[%get3A_444, %get3A_445] {strides = array<i32>} : memref<200x64xf32, #tpu.memory_space<vmem>>, vector<1x16xf32>,
        %get3A_447 = vector.shape_cast %get3A_446 : vector<1x16xf32> to vector<16xf32>
        %add3A_448 = arith.addf %add3A_410, %get3A_447 : vector<16xf32>
        %scan3A_449 = arith.constant 7 : i32
        %scan3A_450 = arith.addi %scan3A_181, %scan3A_449 : i32
        %get3A_451 = arith.constant 0 : i32
        %get3A_452 = arith.constant 0 : i32
        %get3A_453 = tpu.memref_slice %arg6[%scan3A_32, %get3A_451, %get3A_452] : memref<2x200x64xf32, #tpu.memory_space<vmem>> -> memref<1x200x64xf32, #tpu.memory_space<vmem>>
        %get3A_454 = tpu.memref_squeeze %get3A_453 : memref<1x200x64xf32, #tpu.memory_space<vmem>> -> memref<200x64xf32, #tpu.memory_space<vmem>>
        %get3A_455 = arith.index_cast %scan3A_450 : i32 to index
        %get3A_456 = arith.constant 0 : index
        %get3A_457 = tpu.vector_load %get3A_454[%get3A_455, %get3A_456] {strides = array<i32>} : memref<200x64xf32, #tpu.memory_space<vmem>>, vector<1x16xf32>,
        %get3A_458 = vector.shape_cast %get3A_457 : vector<1x16xf32> to vector<16xf32>
        %add3A_459 = arith.addf %add3A_421, %get3A_458 : vector<16xf32>
        %get3A_460 = arith.constant 0 : i32
        %get3A_461 = arith.constant 0 : i32
        %get3A_462 = tpu.memref_slice %arg6[%scan3A_32, %get3A_460, %get3A_461] : memref<2x200x64xf32, #tpu.memory_space<vmem>> -> memref<1x200x64xf32, #tpu.memory_space<vmem>>
        %get3A_463 = tpu.memref_squeeze %get3A_462 : memref<1x200x64xf32, #tpu.memory_space<vmem>> -> memref<200x64xf32, #tpu.memory_space<vmem>>
        %get3A_464 = arith.index_cast %scan3A_450 : i32 to index
        %get3A_465 = arith.constant 16 : index
        %get3A_466 = tpu.vector_load %get3A_463[%get3A_464, %get3A_465] {strides = array<i32>} : memref<200x64xf32, #tpu.memory_space<vmem>>, vector<1x16xf32>,
        %get3A_467 = vector.shape_cast %get3A_466 : vector<1x16xf32> to vector<16xf32>
        %add3A_468 = arith.addf %add3A_430, %get3A_467 : vector<16xf32>
        %get3A_469 = arith.constant 0 : i32
        %get3A_470 = arith.constant 0 : i32
        %get3A_471 = tpu.memref_slice %arg6[%scan3A_32, %get3A_469, %get3A_470] : memref<2x200x64xf32, #tpu.memory_space<vmem>> -> memref<1x200x64xf32, #tpu.memory_space<vmem>>
        %get3A_472 = tpu.memref_squeeze %get3A_471 : memref<1x200x64xf32, #tpu.memory_space<vmem>> -> memref<200x64xf32, #tpu.memory_space<vmem>>
        %get3A_473 = arith.index_cast %scan3A_450 : i32 to index
        %get3A_474 = arith.constant 32 : index
        %get3A_475 = tpu.vector_load %get3A_472[%get3A_473, %get3A_474] {strides = array<i32>} : memref<200x64xf32, #tpu.memory_space<vmem>>, vector<1x16xf32>,
        %get3A_476 = vector.shape_cast %get3A_475 : vector<1x16xf32> to vector<16xf32>
        %add3A_477 = arith.addf %add3A_439, %get3A_476 : vector<16xf32>
        %get3A_478 = arith.constant 0 : i32
        %get3A_479 = arith.constant 0 : i32
        %get3A_480 = tpu.memref_slice %arg6[%scan3A_32, %get3A_478, %get3A_479] : memref<2x200x64xf32, #tpu.memory_space<vmem>> -> memref<1x200x64xf32, #tpu.memory_space<vmem>>
        %get3A_481 = tpu.memref_squeeze %get3A_480 : memref<1x200x64xf32, #tpu.memory_space<vmem>> -> memref<200x64xf32, #tpu.memory_space<vmem>>
        %get3A_482 = arith.index_cast %scan3A_450 : i32 to index
        %get3A_483 = arith.constant 48 : index
        %get3A_484 = tpu.vector_load %get3A_481[%get3A_482, %get3A_483] {strides = array<i32>} : memref<200x64xf32, #tpu.memory_space<vmem>>, vector<1x16xf32>,
        %get3A_485 = vector.shape_cast %get3A_484 : vector<1x16xf32> to vector<16xf32>
        %add3A_486 = arith.addf %add3A_448, %get3A_485 : vector<16xf32>
        scf.yield %add3A_459, %add3A_468, %add3A_477, %add3A_486 : vector<16xf32>, vector<16xf32>, vector<16xf32>, vector<16xf32>
      }
      %scan3A_160 = arith.constant 200 : i32
      %swap3A_161 = arith.index_cast %add3A_152 : i32 to index
      %swap3A_162 = arith.constant 0 : index
      %swap3A_163 = tpu.vector_load %arg7[%swap3A_161, %swap3A_162] {strides = array<i32>} : memref<128x64xf32, #tpu.memory_space<vmem>>, vector<1x16xf32>,
      %swap3A_164 = vector.shape_cast %swap3A_163 : vector<1x16xf32> to vector<16xf32>
      %swap3A_165 = vector.shape_cast %scan3A_159#0 : vector<16xf32> to vector<1x16xf32>
      tpu.vector_store %arg7[%swap3A_161, %swap3A_162], %swap3A_165 {strides = array<i32>} : memref<128x64xf32, #tpu.memory_space<vmem>>, vector<1x16xf32>,
      %swap3A_166 = arith.index_cast %add3A_152 : i32 to index
      %swap3A_167 = arith.constant 16 : index
      %swap3A_168 = tpu.vector_load %arg7[%swap3A_166, %swap3A_167] {strides = array<i32>} : memref<128x64xf32, #tpu.memory_space<vmem>>, vector<1x16xf32>,
      %swap3A_169 = vector.shape_cast %swap3A_168 : vector<1x16xf32> to vector<16xf32>
      %swap3A_170 = vector.shape_cast %scan3A_159#1 : vector<16xf32> to vector<1x16xf32>
      tpu.vector_store %arg7[%swap3A_166, %swap3A_167], %swap3A_170 {strides = array<i32>} : memref<128x64xf32, #tpu.memory_space<vmem>>, vector<1x16xf32>,
      %swap3A_171 = arith.index_cast %add3A_152 : i32 to index
      %swap3A_172 = arith.constant 32 : index
      %swap3A_173 = tpu.vector_load %arg7[%swap3A_171, %swap3A_172] {strides = array<i32>} : memref<128x64xf32, #tpu.memory_space<vmem>>, vector<1x16xf32>,
      %swap3A_174 = vector.shape_cast %swap3A_173 : vector<1x16xf32> to vector<16xf32>
      %swap3A_175 = vector.shape_cast %scan3A_159#2 : vector<16xf32> to vector<1x16xf32>
      tpu.vector_store %arg7[%swap3A_171, %swap3A_172], %swap3A_175 {strides = array<i32>} : memref<128x64xf32, #tpu.memory_space<vmem>>, vector<1x16xf32>,
      %swap3A_176 = arith.index_cast %add3A_152 : i32 to index
      %swap3A_177 = arith.constant 48 : index
      %swap3A_178 = tpu.vector_load %arg7[%swap3A_176, %swap3A_177] {strides = array<i32>} : memref<128x64xf32, #tpu.memory_space<vmem>>, vector<1x16xf32>,
      %swap3A_179 = vector.shape_cast %swap3A_178 : vector<1x16xf32> to vector<16xf32>
      %swap3A_180 = vector.shape_cast %scan3A_159#3 : vector<16xf32> to vector<1x16xf32>
      tpu.vector_store %arg7[%swap3A_176, %swap3A_177], %swap3A_180 {strides = array<i32>} : memref<128x64xf32, #tpu.memory_space<vmem>>, vector<1x16xf32>,
    }
    %scan3A_38 = arith.constant 64 : i32
    "tpu.region"() ({
      %run_scoped3A = tpu.sem_alloc : memref<!tpu.dma_semaphore, #tpu.memory_space<semaphore_mem>>
      %dma_start3A_39 = arith.constant 0 : i32
      %dma_start3A_40 = tpu.memref_slice %arg4[%mul3A_2, %dma_start3A_39] : memref<4096x64xf32, #tpu.memory_space<hbm>> -> memref<128x64xf32, #tpu.memory_space<hbm>>
      %dma_start3A_41 = arith.constant 0 : i32
      %dma_start3A_42 = tpu.memref_slice %arg4[%mul3A_2, %dma_start3A_41] : memref<4096x64xf32, #tpu.memory_space<hbm>> -> memref<128x64xf32, #tpu.memory_space<hbm>>
      tpu.enqueue_dma source(%arg7 : memref<128x64xf32, #tpu.memory_space<vmem>>) target(%dma_start3A_42 : memref<128x64xf32, #tpu.memory_space<hbm>>) target_semaphore(%run_scoped3A : memref<!tpu.dma_semaphore, #tpu.memory_space<semaphore_mem>>)
      %dma_wait3A = arith.constant 0 : i32
      %dma_wait3A_43 = tpu.memref_slice %arg4[%mul3A_2, %dma_wait3A] : memref<4096x64xf32, #tpu.memory_space<hbm>> -> memref<128x64xf32, #tpu.memory_space<hbm>>
      %dma_wait3A_44 = arith.constant 0 : i32
      %dma_wait3A_45 = tpu.memref_slice %arg4[%mul3A_2, %dma_wait3A_44] : memref<4096x64xf32, #tpu.memory_space<hbm>> -> memref<128x64xf32, #tpu.memory_space<hbm>>
      tpu.wait_dma2 semaphore(%run_scoped3A : memref<!tpu.dma_semaphore, #tpu.memory_space<semaphore_mem>>) src(%arg7 : memref<128x64xf32, #tpu.memory_space<vmem>>) dst(%dma_wait3A_45 : memref<128x64xf32, #tpu.memory_space<hbm>>)
      tpu.yield
    }) : () -> ()
    return
  }
}

module attributes {stable_mosaic.version = 14 : i64} {
  func.func @_tc_head_body(%arg0: memref<4096x64xf32, #tpu.memory_space<vmem>>, %arg1: memref<4096x1xf32, #tpu.memory_space<vmem>>, %arg2: memref<64x64xf32, #tpu.memory_space<vmem>>, %arg3: memref<1x64xf32, #tpu.memory_space<vmem>>, %arg4: memref<1x64xf32, #tpu.memory_space<vmem>>, %arg5: memref<1x64xf32, #tpu.memory_space<vmem>>, %arg6: memref<1x64xf32, #tpu.memory_space<vmem>>, %arg7: memref<1x1xf32, #tpu.memory_space<vmem>>, %arg8: memref<1x1xf32, #tpu.memory_space<vmem>>, %arg9: memref<4096x1xf32, #tpu.memory_space<vmem>>) attributes {dimension_semantics = [], scalar_prefetch = 0 : i64, scratch_operands = 0 : i64, tpu.core_type = #tpu.core_type<tc>} {
    %get3A = arith.constant 0 : index
    %get3A_0 = arith.constant 0 : index
    %get3A_1 = vector.load %arg0[%get3A, %get3A_0] : memref<4096x64xf32, #tpu.memory_space<vmem>>, vector<4096x64xf32>
    %mul3A = arith.constant 5.000000e-03 : f32
    %mul3A_2 = vector.broadcast %mul3A : f32 to vector<4096x64xf32>
    %mul3A_3 = arith.mulf %get3A_1, %mul3A_2 : vector<4096x64xf32>
    %get3A_4 = arith.constant 0 : index
    %get3A_5 = arith.constant 0 : index
    %get3A_6 = vector.load %arg2[%get3A_4, %get3A_5] : memref<64x64xf32, #tpu.memory_space<vmem>>, vector<64x64xf32>
    %dot_general3A = arith.constant dense<0.000000e+00> : vector<4096x64xf32>
    %dot_general3A_7 = tpu.matmul %mul3A_3, %get3A_6, %dot_general3A {dimension_numbers = #tpu.dot_dimension_numbers<[1], [0], [0], [1], [0, 0, 1, 1], [], []>, transpose_lhs_hint = false} : vector<4096x64xf32>, vector<64x64xf32>, vector<4096x64xf32> -> vector<4096x64xf32>
    %get3A_8 = arith.constant 0 : index
    %get3A_9 = arith.constant 0 : index
    %get3A_10 = vector.load %arg3[%get3A_8, %get3A_9] : memref<1x64xf32, #tpu.memory_space<vmem>>, vector<1x64xf32>
    %add3A = vector.broadcast %get3A_10 : vector<1x64xf32> to vector<4096x64xf32>
    %add3A_11 = arith.addf %dot_general3A_7, %add3A : vector<4096x64xf32>
    %reduce_sum3A = arith.constant dense<0.000000e+00> : vector<64xf32>
    %reduce_sum3A_12 = vector.multi_reduction <add>, %add3A_11, %reduce_sum3A [0] : vector<4096x64xf32> to vector<64xf32>
    %broadcast_in_dim3A = vector.shape_cast %reduce_sum3A_12 : vector<64xf32> to vector<1x64xf32>
    %div3A = arith.constant 4.096000e+03 : f32
    %div3A_13 = vector.broadcast %div3A : f32 to vector<1x64xf32>
    %div3A_14 = arith.divf %broadcast_in_dim3A, %div3A_13 : vector<1x64xf32>
    %sub3A = vector.broadcast %div3A_14 : vector<1x64xf32> to vector<4096x64xf32>
    %sub3A_15 = arith.subf %add3A_11, %sub3A : vector<4096x64xf32>
    %mul3A_16 = arith.mulf %sub3A_15, %sub3A_15 : vector<4096x64xf32>
    %reduce_sum3A_17 = arith.constant dense<0.000000e+00> : vector<64xf32>
    %reduce_sum3A_18 = vector.multi_reduction <add>, %mul3A_16, %reduce_sum3A_17 [0] : vector<4096x64xf32> to vector<64xf32>
    %broadcast_in_dim3A_19 = vector.shape_cast %reduce_sum3A_18 : vector<64xf32> to vector<1x64xf32>
    %div3A_20 = arith.constant 4.096000e+03 : f32
    %div3A_21 = vector.broadcast %div3A_20 : f32 to vector<1x64xf32>
    %div3A_22 = arith.divf %broadcast_in_dim3A_19, %div3A_21 : vector<1x64xf32>
    %add3A_23 = arith.constant 9.99999974E-6 : f32
    %add3A_24 = vector.broadcast %add3A_23 : f32 to vector<1x64xf32>
    %add3A_25 = arith.addf %div3A_22, %add3A_24 : vector<1x64xf32>
    %rsqrt3A = math.rsqrt %add3A_25 : vector<1x64xf32>
    %mul3A_26 = vector.broadcast %rsqrt3A : vector<1x64xf32> to vector<4096x64xf32>
    %mul3A_27 = arith.mulf %sub3A_15, %mul3A_26 : vector<4096x64xf32>
    %get3A_28 = arith.constant 0 : index
    %get3A_29 = arith.constant 0 : index
    %get3A_30 = vector.load %arg4[%get3A_28, %get3A_29] : memref<1x64xf32, #tpu.memory_space<vmem>>, vector<1x64xf32>
    %mul3A_31 = vector.broadcast %get3A_30 : vector<1x64xf32> to vector<4096x64xf32>
    %mul3A_32 = arith.mulf %mul3A_27, %mul3A_31 : vector<4096x64xf32>
    %get3A_33 = arith.constant 0 : index
    %get3A_34 = arith.constant 0 : index
    %get3A_35 = vector.load %arg5[%get3A_33, %get3A_34] : memref<1x64xf32, #tpu.memory_space<vmem>>, vector<1x64xf32>
    %add3A_36 = vector.broadcast %get3A_35 : vector<1x64xf32> to vector<4096x64xf32>
    %add3A_37 = arith.addf %mul3A_32, %add3A_36 : vector<4096x64xf32>
    %max3A = arith.constant 0.000000e+00 : f32
    %max3A_38 = vector.broadcast %max3A : f32 to vector<4096x64xf32>
    %max3A_39 = arith.maximumf %add3A_37, %max3A_38 : vector<4096x64xf32>
    %get3A_40 = arith.constant 0 : index
    %get3A_41 = arith.constant 0 : index
    %get3A_42 = vector.load %arg6[%get3A_40, %get3A_41] : memref<1x64xf32, #tpu.memory_space<vmem>>, vector<1x64xf32>
    %mul3A_43 = vector.broadcast %get3A_42 : vector<1x64xf32> to vector<4096x64xf32>
    %mul3A_44 = arith.mulf %max3A_39, %mul3A_43 : vector<4096x64xf32>
    %reduce_sum3A_45 = arith.constant dense<0.000000e+00> : vector<4096xf32>
    %reduce_sum3A_46 = vector.multi_reduction <add>, %mul3A_44, %reduce_sum3A_45 [1] : vector<4096x64xf32> to vector<4096xf32>
    %broadcast_in_dim3A_47 = vector.shape_cast %reduce_sum3A_46 : vector<4096xf32> to vector<4096x1xf32>
    %get3A_48 = arith.constant 0 : index
    %get3A_49 = arith.constant 0 : index
    %get3A_50 = vector.load %arg7[%get3A_48, %get3A_49] : memref<1x1xf32, #tpu.memory_space<vmem>>, vector<1x1xf32>
    %add3A_51 = vector.broadcast %get3A_50 : vector<1x1xf32> to vector<4096x1xf32>
    %add3A_52 = arith.addf %broadcast_in_dim3A_47, %add3A_51 : vector<4096x1xf32>
    %get3A_53 = arith.constant 0 : index
    %get3A_54 = arith.constant 0 : index
    %get3A_55 = vector.load %arg1[%get3A_53, %get3A_54] : memref<4096x1xf32, #tpu.memory_space<vmem>>, vector<4096x1xf32>
    %max3A_56 = arith.constant 0.000000e+00 : f32
    %max3A_57 = vector.broadcast %max3A_56 : f32 to vector<4096x1xf32>
    %max3A_58 = arith.maximumf %add3A_52, %max3A_57 : vector<4096x1xf32>
    %mul3A_59 = arith.mulf %add3A_52, %get3A_55 : vector<4096x1xf32>
    %sub3A_60 = arith.subf %max3A_58, %mul3A_59 : vector<4096x1xf32>
    %abs3A = math.absf %add3A_52 : vector<4096x1xf32>
    %neg3A = arith.constant 0.000000e+00 : f32
    %neg3A_61 = vector.broadcast %neg3A : f32 to vector<4096x1xf32>
    %neg3A_62 = arith.subf %neg3A_61, %abs3A : vector<4096x1xf32>
    %exp3A = math.exp %neg3A_62 : vector<4096x1xf32>
    %log1p3A = math.log1p %exp3A : vector<4096x1xf32>
    %add3A_63 = arith.addf %sub3A_60, %log1p3A : vector<4096x1xf32>
    %reduce_sum3A_64 = vector.shape_cast %add3A_63 : vector<4096x1xf32> to vector<1x4096x1xf32>
    %reduce_sum3A_65 = arith.constant dense<0.000000e+00> : vector<1xf32>
    %reduce_sum3A_66 = vector.multi_reduction <add>, %reduce_sum3A_64, %reduce_sum3A_65 [1, 2] : vector<1x4096x1xf32> to vector<1xf32>
    %reduce_sum3A_67 = vector.shape_cast %reduce_sum3A_66 : vector<1xf32> to vector<1x1x1xf32>
    %reduce_sum3A_68 = vector.extract %reduce_sum3A_67[0, 0, 0] : f32 from vector<1x1x1xf32>
    %broadcast_in_dim3A_69 = vector.broadcast %reduce_sum3A_68 : f32 to vector<1x1xf32>
    %div3A_70 = arith.constant 4.096000e+03 : f32
    %div3A_71 = vector.broadcast %div3A_70 : f32 to vector<1x1xf32>
    %div3A_72 = arith.divf %broadcast_in_dim3A_69, %div3A_71 : vector<1x1xf32>
    %swap3A = arith.constant 0 : index
    %swap3A_73 = arith.constant 0 : index
    %swap3A_74 = vector.load %arg8[%swap3A, %swap3A_73] : memref<1x1xf32, #tpu.memory_space<vmem>>, vector<1x1xf32>
    tpu.vector_store %arg8[%swap3A, %swap3A_73], %div3A_72 {strides = array<i32>} : memref<1x1xf32, #tpu.memory_space<vmem>>, vector<1x1xf32>,
    %swap3A_75 = arith.constant 0 : index
    %swap3A_76 = arith.constant 0 : index
    %swap3A_77 = vector.load %arg9[%swap3A_75, %swap3A_76] : memref<4096x1xf32, #tpu.memory_space<vmem>>, vector<4096x1xf32>
    tpu.vector_store %arg9[%swap3A_75, %swap3A_76], %add3A_52 {strides = array<i32>} : memref<4096x1xf32, #tpu.memory_space<vmem>>, vector<4096x1xf32>,
    return
  }
}

</mosaic_0001>

<sc_bundles>
// kernel: kernel.4.cloned.1.call-start
scs
__scs_entry_jumppad:
0x0: {  	(pc) =	sbr.rel $0x88, $3  }
0x1: {  	(tag) =	ssettag $0x0;
	lr =	simm.s32 $0x1  }
0x2: {  	[smem:$0x3F98] =	sst lr;
	_ =	strace $0xD0000000  }
0x3: {  	_ = 	snop  }
0x4: {  	_ = 	snop  }
0x5: {  	_ = 	snop  }
0x6: {  	_ = 	snop  }
0x7: {  	_ = 	snop  }
__scs_overlays_trampoline_lowered:
0x8: {  	[smem:$0x3FA7] =	sst s0  }
0x9: {  	[smem:$0x3FA8] =	sst s1  }
0xa: {  	[smem:$0x3FA9] =	sst s2  }
0xb: {  	[smem:$0x3FAA] =	sst s3  }
0xc: {  	[smem:$0x3FAB] =	sst s4  }
0xd: {  	[smem:$0x3FAC] =	sst s5  }
0xe: {  	[smem:$0x3FAD] =	sst s6  }
0xf: {  	[smem:$0x3FAE] =	sst s7  }
0x10: {  	[smem:$0x3FAF] =	sst s8  }
0x11: {  	[smem:$0x3FB0] =	sst s9;
	s0 =	simm.s32 @!p0 $0x0  }
0x12: {  	s1 =	sld [smem:$0x3F96];
	s0 =	simm.s32 @p0 $0x1  }
0x13: {  	[smem:$0x3FB1] =	sst s0;
	s0 =	simm.s32 @!p1 $0x0  }
0x14: {  	s2 =	sld [smem:$0x3F95];
	s0 =	simm.s32 @p1 $0x1  }
0x15: {  	[smem:$0x3FB2] =	sst s0;
	s0 =	simm.s32 @!p2 $0x0  }
0x16: {  	s3 =	sld [smem:$0x3FDB];
	s0 =	simm.s32 @p2 $0x1  }
0x17: {  	s4 =	simm.s32 $0x1BF5;
	[smem:$0x3FB4] =	sst s0  }
0x18: {  	s0 =	sld [smem:$0x3F97];
	_ =	swait.ge [sflag:s4], $0x0  }
0x19: {  	s7 =	sld [smem:$0x3F98]  }
0x1a: {  	s8 =	sadd.s32 $0xFFFFE003, lr  }
0x1b: {  	s9 =	sadd.s32 $0xFFFFFEF7, lr;
	s5 =	simm.s32 $0xFFFFFFFF;
	p2 =	slt.u32 s8, $0xFFFFF086  }
0x1c: {  	p1 =	slt.u32 s9, $0xF7A;
	s5 =	simm.s32 @!p2 $0x0  }
0x1d: {  	s5 =	simm.s32 @p1 $0x1;
	p0 =	seq.s32 s7, s2  }
0x1e: {  	s7 =	smul.u32 @!p0 $0xF7A, s2;
	p2 =	seq.s32 @!p0 s5, $0x0  }
0x1f: {  	s9 =	smul.u32 $0xF7A, s1;
	s8 =	simm.s32 @!p0 $0x1BF5;
	p2 =	por !p2, p0  }
0x20: {  	[sflag:s8] =	ssyncset.s32 @!p0 $0xFFFFF086;
	s6 =	sadd.s32 @!p0 s3, s7;
	s7 =	simm.s32 @!p0 $0x108  }
0x21: {  	s3 =	sadd.s32 s3, s9;
	s6 =	sadd.s32 @!p0 $0x88, s6;
	s7 =	simm.s32 @p2 $0x1082  }
0x22: {  	[simem:s7], [sflag:s8] =	dma.local @!p0 [hbm:s6], $0xF7A  }
0x23: {  	s9 =	sor.u32 $0xD0000000, s2;
	s6 =	simm.s32 $0x108;
	_ =	swait.ge @!p0 [sflag:s8], $0x0  }
0x24: {  	s3 =	sadd.s32 $0x88, s3;
	s6 =	simm.s32 @!p1 $0x1082;
	[sflag:s4] =	ssyncset.s32 $0xFFFFF086  }
0x25: {  	[simem:s6], [sflag:s4] =	dma.local [hbm:s3], $0xF7A  }
0x26: {  	[smem:$0x3F98] =	sst s1;
	(tag) =	ssettag s2;
	_ =	strace s9  }
0x27: {  	s1 =	sld [smem:$0x3FA8]  }
0x28: {  	s2 =	sld [smem:$0x3FA9]  }
0x29: {  	s4 =	sld [smem:$0x3FAB]  }
0x2a: {  	p0 =	seq.s32 s5, $0x0;
	s5 =	sld [smem:$0x3FAC]  }
0x2b: {  	s6 =	sld [smem:$0x3FAD]  }
0x2c: {  	s7 =	sld [smem:$0x3FAE]  }
0x2d: {  	s3 =	simm.s32 $0x108;
	s8 =	sld [smem:$0x3FAF]  }
0x2e: {  	s3 =	simm.s32 @!p0 $0x1082;
	s9 =	sld [smem:$0x3FB0]  }
0x2f: {  	lr =	sadd.s32 s0, s3;
	s0 =	sld [smem:$0x3FA7]  }
0x30: {  	s3 =	sld [smem:$0x3FAA]  }
0x31: {  	[smem:$0x3FB3] =	sst s10  }
0x32: {  	s10 =	sld [smem:$0x3FB1];
	_ =	sdelay $0x3  }
0x33: {  	p0 =	seq.s32 s10, $0x1;
	s10 =	sld [smem:$0x3FB3];
	_ =	sdelay $0x3  }
0x34: {  	[smem:$0x3FB3] =	sst s10  }
0x35: {  	s10 =	sld [smem:$0x3FB2];
	_ =	sdelay $0x3  }
0x36: {  	p1 =	seq.s32 s10, $0x1;
	s10 =	sld [smem:$0x3FB3];
	_ =	sdelay $0x3  }
0x37: {  	[smem:$0x3FB3] =	sst s10  }
0x38: {  	s10 =	sld [smem:$0x3FB4]  }
0x39: {  	_ = 	snop;
	(pc) =	sbr.ind lr, $3  }
0x3a: {  	_ = 	snop  }
0x3b: {  	_ = 	snop  }
0x3c: {  	p2 =	seq.s32 s10, $0x1;
	s10 =	sld [smem:$0x3FB3]  }
0x3d: {  	_ =	shalt  }
0x3e: {  	_ =	shalt  }
0x3f: {  	_ =	shalt  }
0x40: {  	_ =	shalt  }
0x41: {  	_ =	shalt  }
0x42: {  	_ =	shalt  }
0x43: {  	_ =	shalt  }
0x44: {  	_ =	shalt  }
0x45: {  	_ =	shalt  }
0x46: {  	_ =	shalt  }
0x47: {  	_ =	shalt  }
0x48: {  	_ =	shalt  }
0x49: {  	_ =	shalt  }
0x4a: {  	_ =	shalt  }
0x4b: {  	_ =	shalt  }
0x4c: {  	_ =	shalt  }
0x4d: {  	_ =	shalt  }
0x4e: {  	_ =	shalt  }
0x4f: {  	_ =	shalt  }
0x50: {  	_ =	shalt  }
0x51: {  	_ =	shalt  }
0x52: {  	_ =	shalt  }
0x53: {  	_ =	shalt  }
0x54: {  	_ =	shalt  }
0x55: {  	_ =	shalt  }
0x56: {  	_ =	shalt  }
0x57: {  	_ =	shalt  }
0x58: {  	_ =	shalt  }
0x59: {  	_ =	shalt  }
0x5a: {  	_ =	shalt  }
0x5b: {  	_ =	shalt  }
0x5c: {  	_ =	shalt  }
0x5d: {  	_ =	shalt  }
0x5e: {  	_ =	shalt  }
0x5f: {  	_ =	shalt  }
0x60: {  	_ =	shalt  }
0x61: {  	_ =	shalt  }
0x62: {  	_ =	shalt  }
0x63: {  	_ =	shalt  }
0x64: {  	_ =	shalt  }
0x65: {  	_ =	shalt  }
0x66: {  	_ =	shalt  }
0x67: {  	_ =	shalt  }
0x68: {  	_ =	shalt  }
0x69: {  	_ =	shalt  }
0x6a: {  	_ =	shalt  }
0x6b: {  	_ =	shalt  }
0x6c: {  	_ =	shalt  }
0x6d: {  	_ =	shalt  }
0x6e: {  	_ =	shalt  }
0x6f: {  	_ =	shalt  }
0x70: {  	_ =	shalt  }
0x71: {  	_ =	shalt  }
0x72: {  	_ =	shalt  }
0x73: {  	_ =	shalt  }
0x74: {  	_ =	shalt  }
0x75: {  	_ =	shalt  }
0x76: {  	_ =	shalt  }
0x77: {  	_ =	shalt  }
0x78: {  	_ =	shalt  }
0x79: {  	_ =	shalt  }
0x7a: {  	_ =	shalt  }
0x7b: {  	_ =	shalt  }
0x7c: {  	_ =	shalt  }
0x7d: {  	_ =	shalt  }
0x7e: {  	_ =	shalt  }
0x7f: {  	_ =	shalt  }
0x80: {  	_ =	shalt  }
0x81: {  	_ =	shalt  }
0x82: {  	_ =	shalt  }
0x83: {  	_ =	shalt  }
0x84: {  	_ =	shalt  }
0x85: {  	_ =	shalt  }
0x86: {  	_ =	shalt  }
0x87: {  	_ =	shalt  }
.Lfunc_end0:
.L_simem_size_0:
called_computation_lowered:
.L_overlay_start_0:
0x88: {  	s2 =	sld [smem:$0x3FD9]  }
0x89: {  	s3 =	sld [smem:$0x3FFE];
	_ =	sdelay $0x1  }
0x8a: {  	s1 =	srdreg.scid  }
0x8b: {  	s0 =	sand.u32 $0x1, s1  }
0x8c: {  	s16 =	sshll.u32 s0, $0xA;
	s2 =	sadd.s32 s3, s2  }
0x8d: {  	s2 =	sadd.s32 s2, s16  }
0x8e: {  	[smem:$0x3FBF] =	sst s2  }
0x8f: {  	_ = 	snop  }
0x90: {  	(tm) =	ssettm $0x1  }
0x91: {  	s17 =	sld [smem:$0x3FFB];
	_ =	sdelay $0x3  }
0x92: {  	_ =	strace s17  }
0x93: {  	s2 =	sld [smem:$0x3FFC];
	_ =	sdelay $0x3  }
0x94: {  	_ =	strace s2  }
0x95: {  	s2 =	sld [smem:$0x3FFD];
	_ =	sdelay $0x3  }
0x96: {  	_ =	strace s2  }
0x97: {  	_ =	strace $0x8FFFFFFF  }
0x98: {  	s18 =	sld [smem:$0x3FDB];
	_ =	sdelay $0x1  }
0x99: {  	s19 =	simm.s32 $_scs_section_size  }
0x9a: {  	s4 =	simm.s32 $_size__tile_overlayer_lowered;
	s5 =	simm.s32 $_tile_overlayer_lowered  }
0x9b: {  	s22 =	simm.s32 $0x1BFF;
	s21 =	sshll.u32 s5, $0x1;
	s2 =	sadd.s32 s19, s18  }
0x9c: {  	s6 =	simm.s32 $0x0;
	s20 =	sshll.u32 s4, $0x1;
	s4 =	sadd.s32 s21, s2  }
0x9d: {  	[timem:s6], [sflag:s22] =	dma.local [hbm:s4], s20  }
0x9e: {  	_ =	swait.ge [sflag:s22], s20  }
0x9f: {  	s3 =	ssub.s32 $0x0, s20;
	[sflag:s22] =	ssyncset.done $0x0  }
0xa0: {  	[sflag:s22] =	ssyncadd.s32 s3;
	_ =	sdelay $0x1  }
0xa1: {  	s23 =	simm.s32 $0x1B8B  }
0xa2: {  	_ =	swait.ge [sflag:s23], $0x1  }
0xa3: {  	[sflag:s23] =	ssyncset.done $0x0  }
0xa4: {  	s25 =	simm.s32 $0x1B8E;
	s24 =	sld [smem:$0x3FFE];
	[sflag:s23] =	ssyncadd.s32 $0xFFFFFFFF  }
0xa5: {  	s26 =	simm.s32 $execute0_lowered;
	[smem:$0x3FD2] =	sst s25  }
0xa6: {  	s4 =	sshll.u32 s26, $0x1;
	_ =	strace $0x80000046;
	[dreg:$0x1] =	wrdreg $0xFFFFFFFF  }
0xa7: {  	s28 =	simm.s32 $_size_execute0_lowered;
	s2 =	sadd.s32 s2, s4;
	[dreg:$0x0] =	wrdreg $0x0  }
0xa8: {  	s4 =	sshll.u32 s28, $0x1;
	[dreg:$0x2] =	wrdreg s2  }
0xa9: {  	[dreg:$0x3] =	wrdreg s4  }
0xaa: {  	[dreg:$0x4] =	wrdreg $0xC0  }
0xab: {  	_ =	task [dreg:s6], $0x5FFFF  }
0xac: {  	[dreg:$0x1] =	wrdreg $0xFFFFFFFF  }
0xad: {  	[dreg:$0x0] =	wrdreg $0x60  }
0xae: {  	[dreg:$0x2] =	wrdreg s24  }
0xaf: {  	[dreg:$0x3] =	wrdreg $0x9  }
0xb0: {  	_ =	task.clear_ibuf [dreg:s6], $0x4FFFF;
	_ =	strace $0x90000046  }
0xb1: {  	s29 =	simm.s32 $0x9;
	_ =	strace $0x80000048  }
0xb2: {  	_ =	swait.ge [sflag:s29], $0x1  }
0xb3: {  	[sflag:s29] =	ssyncadd.s32 $0xFFFFFFFF  }
0xb4: {  	_ =	strace $0x90000048  }
0xb5: {  	_ =	sfence  }
0xb6: {  	s30 =	sld [smem:$0x0];
	_ =	sdelay $0x2  }
0xb7: {  	s31 =	sshll.u32 s1, $0xD;
	s1 =	sshrl.u32 s1, $0x2  }
0xb8: {  	s3 =	sand.u32 $0x4000, s31;
	s1 =	sadd.s32 s1, s30  }
0xb9: {  	s0 =	sor.u32 s3, s0;
	s1 =	sshll.u32 s1, $0x11  }
0xba: {  	s0 =	sor.u32 s1, s0  }
0xbb: {  	s0 =	sadd.s32 $0x8F2B, s0  }
0xbc: {  	[sflag:s0] =	ssyncadd.remote.s32 $0x1  }
0xbd: {  	_ =	sfence.sel $0xFFFF  }
0xbe: {  	[dreg:$0x0] =	wrdreg $0xFFFFFFFF;
	(pc) =	sbr.abs _section_cstart, $3  }
0xbf: {  	[dreg:$0x1] =	wrdreg $0xFFFFFFFF  }
0xc0: {  	_ =	task.clear_ibuf [dreg:s6], $0x2FFFF;
	_ =	strace $0x9FFFFFFF  }
0xc1: {  	(tm) =	ssettm $0x7FFFFFFF  }
tec
execute0_lowered:
.L_overlay_start_1:
0x0: {  	(tag) =	ssettag $0x1  }
0x1: {  	s1 =	srdreg.scid  }
0x2: {  	s0 =	stileid.u32;
	s4 =	rddreg [dreg:$0x0]  }
0x3: {  	s2 =	simm.s32 $0x0;
	s8 =	simm.s32 $0x68;
	s9 =	simm.s32 $0x6400  }
0x4: {  	s10 =	simm.s32 $0x60;
	s11 =	simm.s32 $0x7E00;
	s12 =	simm.s32 $0x9600  }
0x5: {  	s13 =	simm.s32 $0xB000;
	s14 =	simm.s32 $0x1;
	s15 =	simm.s32 $0x2  }
0x6: {  	s16 =	simm.s32 $0xC800;
	s17 =	simm.s32 $0x0;
	s3 =	sand.u32 $0x1, s1  }
0x7: {  	s5 =	sshll.u32 s0, $0x8;
	[smem:$0x7FF] =	sst s2;
	s6 =	sshll.u32 s3, $0x7  }
0x8: {  	s1 =	rddreg [dreg:$0x1];
	_ =	strace $0x80000047;
	s5 =	sor.u32 s6, s5  }
0x9: {  	s7 =	ssub.s32 $0x2, s3;
	s6 =	smul.u32 $0x19, s5;
	s5 =	sshll.u32 s5, $0x3  }
0xa: {  	s3 =	sadd.s32 $0xF43400, s4;
	s31 =	sshrl.u32 s7, $0x1;
	s5 =	sadd.s32 s5, s4  }
0xb: {  	s7 =	ssub.s32 s7, s31;
	s6 =	sadd.s32 s6, s4;
	s5 =	sadd.s32 $0x1A000, s5  }
0xc: {  	s4 =	sadd.s32 $0x1000, s6;
	s6 =	smax.u32 s7, $0x1;
	s7 =	simm.s32 $0x3  }
.LBB2_1:
0xd: {  	[tilespmem:s2], [sflag:$0x3] =	stream.linear.gather [hbm4b:s4+s2], $0x6400, $0x38;
	[tilespmem:$0xE800] =	vst v63  }
0xe: {  	_ =	swait.ge [sflag:s7], $0x6400  }
0xf: {  	[sflag:s7] =	ssyncset.done $0x0  }
0x10: {  	[sflag:s7] =	ssyncadd.s32 $0xFFFF9C00  }
0x11: {  	[tilespmem:s9], [sflag:$0x1] =	stream.indirect.gather [hbm4b:s3+s8], $0x40, s2, s8, $0xb8;
	[tilespmem:$0xE800] =	vst v63  }
0x12: {  	s18 =	simm.s32 $0x0  }
0x13: {  	[tilespmem:s11], [sflag:$0x1] =	stream.indirect.gather [hbm4b:s3+s10], $0x40, s8, s10, $0xb8;
	[tilespmem:$0xE800] =	vst v63  }
.LBB2_2:
0x14: {  	s19 =	sshllo.u32 s18, $0x1  }
0x15: {  	s20 =	smul.u32 $0x320, s19;
	_ =	sdelay $0x1  }
0x16: {  	s20 =	sshra.s32 s20, $0x2  }
0x17: {  	[tilespmem:s12], [sflag:$0x2] =	stream.indirect.gather [hbm4b:s3+s8], $0x40, s20, s8, $0xb8;
	[tilespmem:$0xE800] =	vst v63  }
0x18: {  	s20 =	sadd.s32 $0x68, s20  }
0x19: {  	[tilespmem:s13], [sflag:$0x2] =	stream.indirect.gather [hbm4b:s3+s10], $0x40, s20, s10, $0xb8;
	[tilespmem:$0xE800] =	vst v63  }
0x1a: {  	_ =	swait.ge [sflag:s14], $0x1A00  }
0x1b: {  	[sflag:s14] =	ssyncset.done $0x0  }
0x1c: {  	[sflag:s14] =	ssyncadd.s32 $0xFFFFE600  }
0x1d: {  	_ =	swait.ge [sflag:s14], $0x1800  }
0x1e: {  	[sflag:s14] =	ssyncset.done $0x0  }
0x1f: {  	s21 =	simm.s32 $0x6500;
	[sflag:s14] =	ssyncadd.s32 $0xFFFFE800  }
0x20: {  	v0 =	vld [tilespmem:s21+$0xC0]  }
0x21: {  	v1 =	vld [tilespmem:s21+$0xD0]  }
0x22: {  	v2 =	vld [tilespmem:s21+$0x80]  }
0x23: {  	v3 =	vld [tilespmem:s21+$0x90]  }
0x24: {  	v9 =	vld [tilespmem:s21+$0x40]  }
0x25: {  	v12 =	vld [tilespmem:s21+$0x50]  }
0x26: {  	v5 =	vld [tilespmem:s21+$0x0]  }
0x27: {  	v8 =	vld [tilespmem:s21+$0x10]  }
0x28: {  	v6 =	vld [tilespmem:s21+$0xFFFFFFC0]  }
0x29: {  	v7 =	vld [tilespmem:s21+$0xFFFFFFD0]  }
0x2a: {  	v4 =	vld [tilespmem:s21+$0xFFFFFF80]  }
0x2b: {  	v10 =	vld [tilespmem:s21+$0xFFFFFF90]  }
0x2c: {  	v11 =	vld [tilespmem:s21+$0xFFFFFF40]  }
0x2d: {  	v13 =	vld [tilespmem:s21+$0xFFFFFF50]  }
0x2e: {  	v14 =	vld [tilespmem:s21+$0xFFFFFF00]  }
0x2f: {  	v15 =	vld [tilespmem:s21+$0xFFFFFF10]  }
0x30: {  	v16 =	vld [tilespmem:s21+$0xFFFFFF20]  }
0x31: {  	v17 =	vld [tilespmem:s21+$0xFFFFFF30]  }
0x32: {  	v18 =	vld [tilespmem:s21+$0xFFFFFF60]  }
0x33: {  	v19 =	vld [tilespmem:s21+$0xFFFFFF70]  }
0x34: {  	v20 =	vimm.f32 $0.0e+00;
	v21 =	vld [tilespmem:s21+$0xFFFFFFA0]  }
0x35: {  	v22 =	vld [tilespmem:s21+$0xFFFFFFB0];
	v14 =	vadd.f32 v14, v20;
	v15 =	vadd.f32 v15, v20  }
0x36: {  	v59 =	vld [tilespmem:s21+$0xFFFFFFE0];
	v16 =	vadd.f32 v16, v20;
	v17 =	vadd.f32 v17, v20  }
0x37: {  	v11 =	vadd.f32 v11, v14;
	v13 =	vadd.f32 v13, v15;
	v14 =	vld [tilespmem:s21+$0xFFFFFFF0]  }
0x38: {  	v61 =	vld [tilespmem:s21+$0x20];
	v15 =	vadd.f32 v18, v16;
	v60 =	vadd.f32 v19, v17  }
0x39: {  	v11 =	vadd.f32 v4, v11;
	v10 =	vadd.f32 v10, v13;
	v13 =	vld [tilespmem:s21+$0x30]  }
0x3a: {  	v15 =	vadd.f32 v21, v15;
	v16 =	vadd.f32 v22, v60;
	v4 =	vld [tilespmem:s21+$0x60]  }
0x3b: {  	v11 =	vadd.f32 v6, v11;
	v10 =	vadd.f32 v7, v10;
	v7 =	vld [tilespmem:s21+$0x70]  }
0x3c: {  	v15 =	vadd.f32 v59, v15;
	v6 =	vld [tilespmem:s21+$0xA0];
	v14 =	vadd.f32 v14, v16  }
0x3d: {  	v62 =	vadd.f32 v5, v11;
	v63 =	vadd.f32 v8, v10;
	v8 =	vld [tilespmem:s21+$0xB0]  }
0x3e: {  	v11 =	vadd.f32 v61, v15;
	v5 =	vld [tilespmem:s21+$0xE0];
	v10 =	vadd.f32 v13, v14  }
0x3f: {  	s20 =	simm.s32 $0x0;
	v13 =	vadd.f32 v9, v62;
	v12 =	vadd.f32 v12, v63;
	v9 =	vld [tilespmem:s21+$0xF0];
	s21 =	simm.s32 $0x6700  }
.LBB2_3:
0x40: {  	v14 =	vld [tilespmem:s21+$0xC0];
	v4 =	vadd.f32 v4, v11;
	v7 =	vadd.f32 v7, v10  }
0x41: {  	v10 =	vld [tilespmem:s21+$0xD0];
	v11 =	vadd.f32 v2, v13;
	v12 =	vadd.f32 v3, v12  }
0x42: {  	v2 =	vld [tilespmem:s21+$0x80];
	v4 =	vadd.f32 v6, v4;
	v6 =	vadd.f32 v8, v7  }
0x43: {  	v3 =	vld [tilespmem:s21+$0x90];
	v7 =	vadd.f32 v0, v11;
	v8 =	vadd.f32 v1, v12  }
0x44: {  	v12 =	vld [tilespmem:s21+$0x40];
	v4 =	vadd.f32 v5, v4;
	v5 =	vadd.f32 v9, v6  }
0x45: {  	v9 =	vld [tilespmem:s21+$0x50];
	v0 =	vmov v14  }
0x46: {  	v11 =	vld [tilespmem:s21+$0x0];
	v1 =	vmov v10  }
0x47: {  	v10 =	vld [tilespmem:s21+$0x10]  }
0x48: {  	v6 =	vld [tilespmem:s21+$0xFFFFFFC0]  }
0x49: {  	v13 =	vld [tilespmem:s21+$0xFFFFFFD0]  }
0x4a: {  	v14 =	vld [tilespmem:s21+$0xFFFFFF80]  }
0x4b: {  	v15 =	vld [tilespmem:s21+$0xFFFFFF90]  }
0x4c: {  	v16 =	vld [tilespmem:s21+$0xFFFFFF40]  }
0x4d: {  	v17 =	vld [tilespmem:s21+$0xFFFFFF50]  }
0x4e: {  	v18 =	vld [tilespmem:s21+$0xFFFFFF00]  }
0x4f: {  	v19 =	vld [tilespmem:s21+$0xFFFFFF10]  }
0x50: {  	v20 =	vld [tilespmem:s21+$0xFFFFFF20]  }
0x51: {  	s20 =	sadd.s32 $0x8, s20;
	v21 =	vld [tilespmem:s21+$0xFFFFFF30]  }
0x52: {  	p0 =	slt.u32 s20, $0xC0;
	v22 =	vld [tilespmem:s21+$0xFFFFFF60]  }
0x53: {  	v23 =	vld [tilespmem:s21+$0xFFFFFF70]  }
0x54: {  	v24 =	vld [tilespmem:s21+$0xFFFFFFA0]  }
0x55: {  	v7 =	vadd.f32 v18, v7;
	v8 =	vadd.f32 v19, v8;
	v18 =	vld [tilespmem:s21+$0xFFFFFFB0]  }
0x56: {  	v4 =	vadd.f32 v20, v4;
	v5 =	vadd.f32 v21, v5;
	v19 =	vld [tilespmem:s21+$0xFFFFFFE0]  }
0x57: {  	v7 =	vadd.f32 v16, v7;
	v8 =	vadd.f32 v17, v8;
	v16 =	vld [tilespmem:s21+$0xFFFFFFF0]  }
0x58: {  	v4 =	vadd.f32 v22, v4;
	v5 =	vadd.f32 v23, v5;
	v17 =	vld [tilespmem:s21+$0x20]  }
0x59: {  	v7 =	vadd.f32 v14, v7;
	v8 =	vadd.f32 v15, v8;
	v14 =	vld [tilespmem:s21+$0x30]  }
0x5a: {  	v15 =	vadd.f32 v24, v4;
	v5 =	vadd.f32 v18, v5;
	v4 =	vld [tilespmem:s21+$0x60]  }
.Ltmp0:
0x5b: {  	v18 =	vadd.f32 v6, v7;
	v8 =	vadd.f32 v13, v8;
	v7 =	vld [tilespmem:s21+$0x70];
	(pc) =	sbr.rel @p0 .LBB2_3-.Ltmp0, $4  }
0x5c: {  	v13 =	vadd.f32 v19, v15;
	v5 =	vadd.f32 v16, v5;
	v6 =	vld [tilespmem:s21+$0xA0]  }
0x5d: {  	v15 =	vadd.f32 v11, v18;
	v16 =	vadd.f32 v10, v8;
	v8 =	vld [tilespmem:s21+$0xB0]  }
0x5e: {  	v11 =	vadd.f32 v17, v13;
	v10 =	vadd.f32 v14, v5;
	v5 =	vld [tilespmem:s21+$0xE0]  }
0x5f: {  	v13 =	vadd.f32 v12, v15;
	v12 =	vadd.f32 v9, v16;
	v9 =	vld [tilespmem:s21+$0xF0];
	s21 =	sadd.s32 $0x200, s21  }
0x60: {  	_ = 	snop  }
0x61: {  	v4 =	vadd.f32 v4, v11;
	v2 =	vadd.f32 v2, v13  }
0x62: {  	v7 =	vadd.f32 v7, v10;
	v3 =	vadd.f32 v3, v12  }
0x63: {  	s20 =	sshll.u32 s18, $0x7;
	v4 =	vadd.f32 v6, v4;
	v0 =	vadd.f32 v0, v2  }
0x64: {  	p0 =	seq.s32 s18, $0x3F;
	s20 =	sand.u32 $0x3FFFFF80, s20;
	v2 =	vadd.f32 v8, v7;
	v1 =	vadd.f32 v1, v3  }
0x65: {  	s21 =	smul.u32 @!p0 $0x640, s18;
	v3 =	vadd.f32 v5, v4;
	[tilespmem:s20+$0xC800] =	vst v0  }
0x66: {  	v0 =	vadd.f32 v9, v2;
	[tilespmem:s20+$0xC810] =	vst v1  }
0x67: {  	s21 =	sshra.s32 @!p0 s21, $0x2;
	[tilespmem:s20+$0xC820] =	vst v3  }
0x68: {  	s22 =	simm.s32 @!p0 $0x68;
	s23 =	simm.s32 @!p0 $0x6400;
	[tilespmem:s20+$0xC830] =	vst v0;
	s20 =	sadd.s32 @!p0 $0x190, s21  }
0x69: {  	[tilespmem:s23], [sflag:$0x1] =	stream.indirect.gather @!p0 [hbm4b:s3+s22], $0x40, s20, s22, $0xb8;
	[tilespmem:$0xE800] =	vst v63  }
0x6a: {  	s20 =	sadd.s32 @!p0 $0x1F8, s21;
	s21 =	simm.s32 @!p0 $0x60;
	s22 =	simm.s32 @!p0 $0x7E00  }
0x6b: {  	[tilespmem:s22], [sflag:$0x1] =	stream.indirect.gather @!p0 [hbm4b:s3+s21], $0x40, s20, s21, $0xb8;
	[tilespmem:$0xE800] =	vst v63  }
0x6c: {  	_ =	swait.ge [sflag:s15], $0x1A00  }
0x6d: {  	[sflag:s15] =	ssyncset.done $0x0  }
0x6e: {  	[sflag:s15] =	ssyncadd.s32 $0xFFFFE600  }
0x6f: {  	_ =	swait.ge [sflag:s15], $0x1800  }
0x70: {  	[sflag:s15] =	ssyncset.done $0x0  }
0x71: {  	s31 =	simm.s32 $0x97F0;
	[sflag:s15] =	ssyncadd.s32 $0xFFFFE800  }
0x72: {  	v0 =	vld [tilespmem:s31+$0xFFFFFFD0]  }
0x73: {  	v1 =	vld [tilespmem:s31+$0xFFFFFFE0]  }
0x74: {  	v2 =	vld [tilespmem:s31+$0xFFFFFF90]  }
0x75: {  	v3 =	vld [tilespmem:s31+$0xFFFFFFA0]  }
0x76: {  	v9 =	vld [tilespmem:s31+$0xFFFFFF50]  }
0x77: {  	v12 =	vld [tilespmem:s31+$0xFFFFFF60]  }
0x78: {  	v6 =	vld [tilespmem:s31+$0xFFFFFF10]  }
0x79: {  	v8 =	vld [tilespmem:s31+$0xFFFFFF20]  }
0x7a: {  	v5 =	vld [tilespmem:s31+$0xFFFFFED0]  }
0x7b: {  	v7 =	vld [tilespmem:s31+$0xFFFFFEE0]  }
0x7c: {  	v4 =	vld [tilespmem:s31+$0xFFFFFE90]  }
0x7d: {  	v10 =	vld [tilespmem:s31+$0xFFFFFEA0]  }
0x7e: {  	v11 =	vld [tilespmem:s31+$0xFFFFFE50]  }
0x7f: {  	v13 =	vld [tilespmem:s31+$0xFFFFFE60]  }
0x80: {  	v14 =	vld [tilespmem:s31+$0xFFFFFE10]  }
0x81: {  	v15 =	vld [tilespmem:s31+$0xFFFFFE20]  }
0x82: {  	v16 =	vld [tilespmem:s31+$0xFFFFFE30]  }
0x83: {  	v17 =	vld [tilespmem:s31+$0xFFFFFE40]  }
0x84: {  	v18 =	vld [tilespmem:s31+$0xFFFFFE70]  }
0x85: {  	v19 =	vld [tilespmem:s31+$0xFFFFFE80]  }
0x86: {  	v20 =	vimm.f32 $0.0e+00;
	v21 =	vld [tilespmem:s31+$0xFFFFFEB0]  }
0x87: {  	v22 =	vld [tilespmem:s31+$0xFFFFFEC0];
	v14 =	vadd.f32 v14, v20;
	v15 =	vadd.f32 v15, v20  }
0x88: {  	v59 =	vld [tilespmem:s31+$0xFFFFFEF0];
	v16 =	vadd.f32 v16, v20;
	v17 =	vadd.f32 v17, v20  }
0x89: {  	v11 =	vadd.f32 v11, v14;
	v13 =	vadd.f32 v13, v15;
	v14 =	vld [tilespmem:s31+$0xFFFFFF00]  }
0x8a: {  	v61 =	vld [tilespmem:s31+$0xFFFFFF30];
	v15 =	vadd.f32 v18, v16;
	v60 =	vadd.f32 v19, v17  }
0x8b: {  	v11 =	vadd.f32 v4, v11;
	v10 =	vadd.f32 v10, v13;
	v13 =	vld [tilespmem:s31+$0xFFFFFF40]  }
0x8c: {  	v15 =	vadd.f32 v21, v15;
	v16 =	vadd.f32 v22, v60;
	v4 =	vld [tilespmem:s31+$0xFFFFFF70]  }
0x8d: {  	v11 =	vadd.f32 v5, v11;
	v10 =	vadd.f32 v7, v10;
	v7 =	vld [tilespmem:s31+$0xFFFFFF80]  }
0x8e: {  	v15 =	vadd.f32 v59, v15;
	v5 =	vld [tilespmem:s31+$0xFFFFFFB0];
	v14 =	vadd.f32 v14, v16  }
0x8f: {  	v62 =	vadd.f32 v6, v11;
	v63 =	vadd.f32 v8, v10;
	v8 =	vld [tilespmem:s31+$0xFFFFFFC0]  }
0x90: {  	v11 =	vadd.f32 v61, v15;
	v6 =	vld [tilespmem:s31+$0xFFFFFFF0];
	v10 =	vadd.f32 v13, v14  }
0x91: {  	s20 =	simm.s32 $0x0;
	s21 =	simm.s32 $0x99F0;
	v13 =	vadd.f32 v9, v62;
	v12 =	vadd.f32 v12, v63;
	v9 =	vld [tilespmem:s31+$0x0]  }
.LBB2_5:
0x92: {  	v14 =	vld [tilespmem:s21+$0xFFFFFFD0];
	v4 =	vadd.f32 v4, v11;
	v7 =	vadd.f32 v7, v10  }
0x93: {  	v10 =	vld [tilespmem:s21+$0xFFFFFFE0];
	v11 =	vadd.f32 v2, v13;
	v12 =	vadd.f32 v3, v12  }
0x94: {  	v2 =	vld [tilespmem:s21+$0xFFFFFF90];
	v4 =	vadd.f32 v5, v4;
	v5 =	vadd.f32 v8, v7  }
0x95: {  	v3 =	vld [tilespmem:s21+$0xFFFFFFA0];
	v7 =	vadd.f32 v0, v11;
	v8 =	vadd.f32 v1, v12  }
0x96: {  	v12 =	vld [tilespmem:s21+$0xFFFFFF50];
	v4 =	vadd.f32 v6, v4;
	v5 =	vadd.f32 v9, v5  }
0x97: {  	v9 =	vld [tilespmem:s21+$0xFFFFFF60];
	v0 =	vmov v14  }
0x98: {  	v6 =	vld [tilespmem:s21+$0xFFFFFF10];
	v1 =	vmov v10  }
0x99: {  	v10 =	vld [tilespmem:s21+$0xFFFFFF20]  }
0x9a: {  	v11 =	vld [tilespmem:s21+$0xFFFFFED0]  }
0x9b: {  	v13 =	vld [tilespmem:s21+$0xFFFFFEE0]  }
0x9c: {  	v14 =	vld [tilespmem:s21+$0xFFFFFE90]  }
0x9d: {  	v15 =	vld [tilespmem:s21+$0xFFFFFEA0]  }
0x9e: {  	v16 =	vld [tilespmem:s21+$0xFFFFFE50]  }
0x9f: {  	v17 =	vld [tilespmem:s21+$0xFFFFFE60]  }
0xa0: {  	v18 =	vld [tilespmem:s21+$0xFFFFFE10]  }
0xa1: {  	v19 =	vld [tilespmem:s21+$0xFFFFFE20]  }
0xa2: {  	v20 =	vld [tilespmem:s21+$0xFFFFFE30]  }
0xa3: {  	s20 =	sadd.s32 $0x8, s20;
	v21 =	vld [tilespmem:s21+$0xFFFFFE40]  }
0xa4: {  	p0 =	slt.u32 s20, $0xC0;
	v22 =	vld [tilespmem:s21+$0xFFFFFE70]  }
0xa5: {  	v23 =	vld [tilespmem:s21+$0xFFFFFE80]  }
0xa6: {  	v24 =	vld [tilespmem:s21+$0xFFFFFEB0]  }
0xa7: {  	v7 =	vadd.f32 v18, v7;
	v8 =	vadd.f32 v19, v8;
	v18 =	vld [tilespmem:s21+$0xFFFFFEC0]  }
0xa8: {  	v4 =	vadd.f32 v20, v4;
	v5 =	vadd.f32 v21, v5;
	v19 =	vld [tilespmem:s21+$0xFFFFFEF0]  }
0xa9: {  	v7 =	vadd.f32 v16, v7;
	v8 =	vadd.f32 v17, v8;
	v16 =	vld [tilespmem:s21+$0xFFFFFF00]  }
0xaa: {  	v4 =	vadd.f32 v22, v4;
	v5 =	vadd.f32 v23, v5;
	v17 =	vld [tilespmem:s21+$0xFFFFFF30]  }
0xab: {  	v7 =	vadd.f32 v14, v7;
	v8 =	vadd.f32 v15, v8;
	v14 =	vld [tilespmem:s21+$0xFFFFFF40]  }
0xac: {  	v15 =	vadd.f32 v24, v4;
	v5 =	vadd.f32 v18, v5;
	v4 =	vld [tilespmem:s21+$0xFFFFFF70]  }
.Ltmp1:
0xad: {  	v11 =	vadd.f32 v11, v7;
	v8 =	vadd.f32 v13, v8;
	v7 =	vld [tilespmem:s21+$0xFFFFFF80];
	(pc) =	sbr.rel @p0 .LBB2_5-.Ltmp1, $4  }
0xae: {  	v13 =	vadd.f32 v19, v15;
	v15 =	vadd.f32 v16, v5;
	v5 =	vld [tilespmem:s21+$0xFFFFFFB0]  }
0xaf: {  	v16 =	vadd.f32 v6, v11;
	v18 =	vadd.f32 v10, v8;
	v8 =	vld [tilespmem:s21+$0xFFFFFFC0]  }
0xb0: {  	v11 =	vadd.f32 v17, v13;
	v10 =	vadd.f32 v14, v15;
	v6 =	vld [tilespmem:s21+$0xFFFFFFF0]  }
0xb1: {  	v13 =	vadd.f32 v12, v16;
	v12 =	vadd.f32 v9, v18;
	v9 =	vld [tilespmem:s21+$0x0];
	s21 =	sadd.s32 $0x200, s21  }
0xb2: {  	_ = 	snop  }
0xb3: {  	v4 =	vadd.f32 v4, v11;
	v2 =	vadd.f32 v2, v13  }
0xb4: {  	v7 =	vadd.f32 v7, v10;
	s18 =	sadd.s32 $0x1, s18;
	v3 =	vadd.f32 v3, v12  }
0xb5: {  	s19 =	sshll.u32 s19, $0x6;
	p0 =	sne.s32 s18, $0x40;
	v4 =	vadd.f32 v5, v4;
	v0 =	vadd.f32 v0, v2  }
.Ltmp2:
0xb6: {  	s19 =	sand.u32 $0x3FFFFFC0, s19;
	v61 =	vadd.f32 v8, v7;
	v1 =	vadd.f32 v1, v3;
	(pc) =	sbr.rel @p0 .LBB2_2-.Ltmp2, $4  }
0xb7: {  	v62 =	vadd.f32 v6, v4;
	[tilespmem:s19+$0xC800] =	vst v0  }
0xb8: {  	v63 =	vadd.f32 v9, v61;
	[tilespmem:s19+$0xC810] =	vst v1  }
0xb9: {  	[tilespmem:s19+$0xC820] =	vst v62  }
0xba: {  	[tilespmem:s19+$0xC830] =	vst v63  }
0xbb: {  	s17 =	sadd.s32 $0x1, s17  }
0xbc: {  	p0 =	sne.s32 s17, s6  }
.Ltmp3:
0xbd: {  	_ = 	snop;
	(pc) =	sbr.rel @p0 .LBB2_1-.Ltmp3, $4  }
0xbe: {  	[hbm4b:s5+s2] =	stream.linear.scatter [tilespmem:s16], [sflag:$0x3], $0x2000, $0x38;
	[tilespmem:$0xE800] =	vst v63  }
0xbf: {  	_ =	swait.ge [sflag:s7], $0x2000  }
0xc0: {  	[sflag:s7] =	ssyncset.done $0x0  }
0xc1: {  	[sflag:s7] =	ssyncadd.s32 $0xFFFFE000  }
0xc2: {  	_ =	sfence.sel $0x180000  }
0xc3: {  	[bflag:$0x0] =	sbarrier.arrive $0xFFFF  }
0xc4: {  	p0 =	sne.s32 s0, $0x0;
	_ =	strace $0x90000047  }
0xc5: {  	s0 =	sadd.s32 @!p0 $0x100000, s1;
	[bflag:$0x2] =	sbarrier.arrive $0xFFFF  }
0xc6: {  	[sflag:s0] =	ssyncadd.tile.s32 @!p0 $0x1;
	_ =	shalt  }
.Lfunc_end2:
_tile_overlayer_lowered:
.L_overlay_start_2:
0xc7: {  	(tag) =	ssettag $0x2  }
0xc8: {  	s0 =	rddreg [dreg:$0x0];
	s2 =	stileid.u32  }
0xc9: {  	s1 =	rddreg [dreg:$0x1];
	p0 =	sne.s32 s2, $0x0  }
0xca: {  	s3 =	rddreg [dreg:$0x2];
	[bflag:$0x3] =	sbarrier.arrive $0xFFFF;
	s2 =	simm.s32 @!p0 $0x1C03  }
0xcb: {  	[timem:s3], [sflag:s2] =	dma.local @!p0 [hbm:s0], s1  }
0xcc: {  	s0 =	simm.s32 @!p0 $0x3  }
0xcd: {  	_ =	swait.ge @!p0 [sflag:s0], s1  }
0xce: {  	s1 =	ssub.s32 @!p0 $0x0, s1;
	[sflag:s0] =	ssyncset.done @!p0 $0x0  }
0xcf: {  	[sflag:s0] =	ssyncadd.s32 @!p0 s1  }
0xd0: {  	[bflag:$0x3] =	sbarrier.arrive $0xFFFF  }
0xd1: {  	_ =	shalt  }

</sc_bundles>
